<compile_context>
chip_gen: v7x
topology: tpu7x:2x2x1
jax: 0.10.2.dev20260603
libtpu: 0.0.44.dev20260713+nightly
codegen_flags: <defaults>
</compile_context>

<pallas_src>
import dataclasses
import functools

import jax
import jax.numpy as jnp
from jax import lax
from jax.experimental import pallas as pl
from jax.experimental.pallas import tpu as pltpu
from jax.experimental.pallas import tpu_sc as plsc

_N = 10000
_E = 320000
_D = 128
_NC = 2
_NS = 16
_NW = _NC * _NS
_CHUNK = 125
_CH = 80
_EPW = _CH * _CHUNK
_CHS = 40
_STAGES = _CH // _CHS
_SLAB_STRIDE = 624
_SLAB = 640
_BLK = 2000
_NBLK = _N // _BLK

_mesh = plsc.VectorSubcoreMesh(core_axis_name="c", subcore_axis_name="s")

_sc_params = pltpu.CompilerParams()
if "needs_layout_passes" in pltpu.CompilerParams.__dataclass_fields__:
    _sc_params = dataclasses.replace(_sc_params, needs_layout_passes=False)


@functools.partial(
    pl.kernel,
    out_type=jax.ShapeDtypeStruct((2, _NW, _N), jnp.float32),
    mesh=_mesh,
    scratch_types=[
        pltpu.VMEM((_EPW,), jnp.int32),
        pltpu.VMEM((_EPW,), jnp.int32),
        pltpu.VMEM((_N,), jnp.float32),
        pltpu.VMEM((_N,), jnp.float32),
    ],
    compiler_params=_sc_params,
)
def _deg_kernel(row_hbm, col_hbm, out_hbm, rowv, colv, histo, histi):
    cid = lax.axis_index("c")
    sid = lax.axis_index("s")
    wid = cid * _NS + sid

    pltpu.sync_copy(row_hbm.at[pl.ds(wid * _EPW, _EPW)], rowv)
    pltpu.sync_copy(col_hbm.at[pl.ds(wid * _EPW, _EPW)], colv)

    zeros16 = jnp.zeros((16,), jnp.float32)

    @pl.loop(0, _N, step=16)
    def _zero(i):
        histo[pl.ds(i, 16)] = zeros16
        histi[pl.ds(i, 16)] = zeros16

    ones16 = jnp.ones((16,), jnp.float32)

    @pl.loop(0, _EPW, step=16)
    def _vec(k):
        plsc.addupdate_scatter(histo, [rowv[pl.ds(k, 16)]], ones16)
        plsc.addupdate_scatter(histi, [colv[pl.ds(k, 16)]], ones16)

    pltpu.sync_copy(histo, out_hbm.at[0, wid])
    pltpu.sync_copy(histi, out_hbm.at[1, wid])


@functools.partial(
    pl.kernel,
    out_type=jax.ShapeDtypeStruct((_NC, _N, _D), jnp.float32),
    mesh=_mesh,
    scratch_types=[
        pltpu.VMEM((_CHS, _CHUNK), jnp.int32),
        pltpu.VMEM((_CHS, _CHUNK), jnp.int32),
        pltpu.VMEM((_CHUNK, _D), jnp.float32),
        pltpu.VMEM((_CHUNK, _D), jnp.float32),
        pltpu.VMEM_SHARED((_N, _D), jnp.float32),
        pltpu.SemaphoreType.DMA,
        pltpu.SemaphoreType.DMA,
    ],
    compiler_params=_sc_params,
)
def _agg_kernel(t_hbm, row_hbm, col_hbm, out_hbm, rowv, colv, bufa, bufb,
                acc, sema, semb):
    cid = lax.axis_index("c")
    sid = lax.axis_index("s")
    wid = cid * _NS + sid

    zeros16 = jnp.zeros((16,), jnp.float32)

    @pl.loop(0, _CHUNK)
    def _zrow(r):
        @pl.loop(0, _D, step=16)
        def _zcol(k):
            bufa[r, pl.ds(k, 16)] = zeros16

    @pl.loop(0, _SLAB, step=64)
    def _zacc(r0):
        pltpu.sync_copy(bufa.at[pl.ds(0, 64)],
                        acc.at[pl.ds(sid * _SLAB_STRIDE + r0, 64)])

    plsc.subcore_barrier()

    @pl.loop(0, _STAGES)
    def _stage(s):
        pltpu.sync_copy(row_hbm.at[wid, pl.ds(s * _CHS, _CHS)], rowv)
        pltpu.sync_copy(col_hbm.at[wid, pl.ds(s * _CHS, _CHS)], colv)

        pltpu.async_copy(t_hbm.at[colv.at[0]], bufa, sema)

        @pl.loop(0, _CHS - 2, step=2)
        def _body(j):
            pltpu.async_copy(t_hbm.at[colv.at[j + 1]], bufb, semb)
            pltpu.make_async_copy(t_hbm.at[colv.at[j]], bufa, sema).wait()
            pltpu.sync_copy(bufa, acc.at[rowv.at[j]], add=True)
            pltpu.async_copy(t_hbm.at[colv.at[j + 2]], bufa, sema)
            pltpu.make_async_copy(t_hbm.at[colv.at[j + 1]], bufb, semb).wait()
            pltpu.sync_copy(bufb, acc.at[rowv.at[j + 1]], add=True)

        pltpu.async_copy(t_hbm.at[colv.at[_CHS - 1]], bufb, semb)
        pltpu.make_async_copy(t_hbm.at[colv.at[_CHS - 2]], bufa, sema).wait()
        pltpu.sync_copy(bufa, acc.at[rowv.at[_CHS - 2]], add=True)
        pltpu.make_async_copy(t_hbm.at[colv.at[_CHS - 1]], bufb, semb).wait()
        pltpu.sync_copy(bufb, acc.at[rowv.at[_CHS - 1]], add=True)

    plsc.subcore_barrier()

    pltpu.sync_copy(acc.at[pl.ds(sid * _SLAB_STRIDE, _SLAB)],
                    out_hbm.at[cid, pl.ds(sid * _SLAB_STRIDE, _SLAB)])


def _mm2_body(x_ref, w_ref, c_ref, di_ref, t_ref, h_ref):
    xb = x_ref[...].astype(jnp.bfloat16)
    dn = (((1,), (1,)), ((), ()))
    t_ref[...] = di_ref[...] * lax.dot_general(
        xb, w_ref[...].astype(jnp.bfloat16), dn,
        preferred_element_type=jnp.float32)
    h_ref[...] = lax.dot_general(xb, c_ref[...].astype(jnp.bfloat16), dn,
                                 preferred_element_type=jnp.float32)


def _mm2(x, w, c, d_in_col):
    return pl.pallas_call(
        _mm2_body,
        grid=(_NBLK,),
        in_specs=[
            pl.BlockSpec((_BLK, _D), lambda i: (i, 0)),
            pl.BlockSpec((_D, _D), lambda i: (0, 0)),
            pl.BlockSpec((_D, _D), lambda i: (0, 0)),
            pl.BlockSpec((_BLK, 1), lambda i: (i, 0)),
        ],
        out_specs=[
            pl.BlockSpec((_BLK, _D), lambda i: (i, 0)),
            pl.BlockSpec((_BLK, _D), lambda i: (i, 0)),
        ],
        out_shape=[
            jax.ShapeDtypeStruct((_N, _D), jnp.float32),
            jax.ShapeDtypeStruct((_N, _D), jnp.float32),
        ],
    )(x, w, c, d_in_col)


def _degnorm_body(dp_ref, d_ref):
    for h in range(2):
        deg = dp_ref[h, 0]
        for w in range(1, _NW):
            deg = deg + dp_ref[h, w]
        d_ref[h] = jnp.where(deg > 0.0, lax.rsqrt(deg), 0.0)


def _degnorm(dp):
    return pl.pallas_call(
        _degnorm_body,
        out_shape=jax.ShapeDtypeStruct((2, _CH, _CHUNK), jnp.float32),
    )(dp)


def _layer2_body(acc_ref, do_ref, di_ref, hd_ref, w_ref, c_ref,
                 t2s_ref, hd2_ref):
    h1 = jnp.maximum(do_ref[...] * (acc_ref[0] + acc_ref[1]) + hd_ref[...],
                     0.0).astype(jnp.bfloat16)
    dn = (((1,), (1,)), ((), ()))
    t2s_ref[...] = di_ref[...] * lax.dot_general(
        h1, w_ref[...].astype(jnp.bfloat16), dn,
        preferred_element_type=jnp.float32)
    hd2_ref[...] = lax.dot_general(h1, c_ref[...].astype(jnp.bfloat16), dn,
                                   preferred_element_type=jnp.float32)


def _layer2(acc, d_out_col, d_in_col, hdir1, w2, c2):
    return pl.pallas_call(
        _layer2_body,
        grid=(_NBLK,),
        in_specs=[
            pl.BlockSpec((_NC, _BLK, _D), lambda i: (0, i, 0)),
            pl.BlockSpec((_BLK, 1), lambda i: (i, 0)),
            pl.BlockSpec((_BLK, 1), lambda i: (i, 0)),
            pl.BlockSpec((_BLK, _D), lambda i: (i, 0)),
            pl.BlockSpec((_D, _D), lambda i: (0, 0)),
            pl.BlockSpec((_D, _D), lambda i: (0, 0)),
        ],
        out_specs=[
            pl.BlockSpec((_BLK, _D), lambda i: (i, 0)),
            pl.BlockSpec((_BLK, _D), lambda i: (i, 0)),
        ],
        out_shape=[
            jax.ShapeDtypeStruct((_N, _D), jnp.float32),
            jax.ShapeDtypeStruct((_N, _D), jnp.float32),
        ],
    )(acc, d_out_col, d_in_col, hdir1, w2, c2)


def _final_body(acc_ref, do_ref, hd_ref, o_ref):
    o_ref[...] = do_ref[...] * (acc_ref[0] + acc_ref[1]) + hd_ref[...]


def _final(acc, d_out_col, hdir2):
    return pl.pallas_call(
        _final_body,
        grid=(_NBLK,),
        in_specs=[
            pl.BlockSpec((_NC, _BLK, _D), lambda i: (0, i, 0)),
            pl.BlockSpec((_BLK, 1), lambda i: (i, 0)),
            pl.BlockSpec((_BLK, _D), lambda i: (i, 0)),
        ],
        out_specs=pl.BlockSpec((_BLK, _D), lambda i: (i, 0)),
        out_shape=jax.ShapeDtypeStruct((_N, _D), jnp.float32),
    )(acc, d_out_col, hdir2)


def kernel(x, edge_index, W1, Wdir1, alpha1, beta1, W2, Wdir2, alpha2, beta2):
    row = edge_index[0]
    col = edge_index[1]
    row_p = row.reshape(_NW, _CH, _CHUNK)
    col_p = col.reshape(_NW, _CH, _CHUNK)

    c1 = alpha1 * W1 + beta1 * Wdir1
    c2 = alpha2 * W2 + beta2 * Wdir2

    dp = _deg_kernel(row, col)
    d = _degnorm(dp.reshape(2, _NW, _CH, _CHUNK))
    d_out_col = d[0].reshape(_N, 1)
    d_in_col = d[1].reshape(_N, 1)

    t1s, hdir1 = _mm2(x, W1, c1, d_in_col)
    acc1 = _agg_kernel(t1s, row_p, col_p)

    t2s, hdir2 = _layer2(acc1, d_out_col, d_in_col, hdir1, W2, c2)
    acc2 = _agg_kernel(t2s, row_p, col_p)

    return _final(acc2, d_out_col, hdir2)

# --- scband reference (transcript-rebuilt; emitter-appended) ---
"""Pipeline reference for scband-sdgcn-31937376813495 (READ-ONLY COPY).

The authoritative reference and input builder live on the scoring server;
editing this copy changes nothing except your own understanding.
"""

import jax, jax.numpy as jnp
import numpy as np

N = 10000
E = 320000
D_IN = 128
D_HID = 128
D_OUT = 128


def _linear_init(key, out_dim, in_dim):
    bound = 1.0 / np.sqrt(in_dim)
    return jax.random.uniform(key, (out_dim, in_dim), dtype=jnp.float32, minval=-bound, maxval=bound)


def setup_inputs(seed: int = 0) -> dict:
    key = jax.random.key(seed)
    ks = jax.random.split(key, 8)
    x = jax.random.normal(ks[0], (N, D_IN), dtype=jnp.float32)
    edge_index = jax.random.randint(ks[1], (2, E), 0, N, dtype=jnp.int32)
    W1 = _linear_init(ks[2], D_HID, D_IN)
    Wdir1 = _linear_init(ks[3], D_HID, D_IN)
    W2 = _linear_init(ks[4], D_OUT, D_HID)
    Wdir2 = _linear_init(ks[5], D_OUT, D_HID)
    alpha1 = jnp.array(0.5, dtype=jnp.float32)
    beta1 = jnp.array(0.5, dtype=jnp.float32)
    alpha2 = jnp.array(0.5, dtype=jnp.float32)
    beta2 = jnp.array(0.5, dtype=jnp.float32)
    return {"x": x, "edge_index": edge_index, "W1": W1, "Wdir1": Wdir1,
            "alpha1": alpha1, "beta1": beta1, "W2": W2, "Wdir2": Wdir2,
            "alpha2": alpha2, "beta2": beta2}


def reference(x, edge_index, W1, Wdir1, alpha1, beta1, W2, Wdir2, alpha2, beta2):
    row = edge_index[0]
    col = edge_index[1]
    ones = jnp.ones((E,), dtype=jnp.float32)
    deg_out = jax.ops.segment_sum(ones, row, num_segments=N)
    deg_in = jax.ops.segment_sum(ones, col, num_segments=N)
    d_out = jnp.where(deg_out > 0, deg_out ** -0.5, 0.0)
    d_in = jnp.where(deg_in > 0, deg_in ** -0.5, 0.0)
    # adj_norm[i, j] = d_out[i] * A[i, j] * d_in[j]; per-edge weight:
    w = d_out[row] * d_in[col]

    def conv(h, W, Wd, a, b):
        t = h @ W.T                                  # W(x), no bias
        # h_base = adj_norm @ t : gather dst features, scale, scatter-add to src
        msgs = w[:, None] * jnp.take(t, col, axis=0)
        h_base = jax.ops.segment_sum(msgs, row, num_segments=N)
        h_dir = a * t + b * (h @ Wd.T)
        return h_base + h_dir

    h = conv(x, W1, Wdir1, alpha1, beta1)
    h = jax.nn.relu(h)
    # dropout is identity in eval mode
    out = conv(h, W2, Wdir2, alpha2, beta2)
    return out

if __name__ == "__main__":
    import jax
    _d = setup_inputs()
    print(jax.jit(kernel)(*tuple(_d.values())))

</pallas_src>

<mosaic_0001>
#map = affine_map<(d0, d1) -> (0, 0)>
#map1 = affine_map<(d0, d1) -> (0, 0, 0)>
module attributes {stable_mosaic.version = 14 : i64} {
  func.func @_agg_kernel(%arg0: i32, %arg1: i32, %arg2: memref<10000x128xf32, #tpu.memory_space<hbm>>, %arg3: memref<32x80x125xi32, #tpu.memory_space<hbm>>, %arg4: memref<32x80x125xi32, #tpu.memory_space<hbm>>, %arg5: memref<2x10000x128xf32, #tpu.memory_space<hbm>>, %arg6: memref<40x125xi32, #tpu.memory_space<vmem>>, %arg7: memref<40x125xi32, #tpu.memory_space<vmem>>, %arg8: memref<125x128xf32, #tpu.memory_space<vmem>>, %arg9: memref<125x128xf32, #tpu.memory_space<vmem>>, %arg10: memref<10000x128xf32, #tpu.memory_space<vmem_shared>>, %arg11: memref<!tpu.dma_semaphore, #tpu.memory_space<semaphore_mem>>, %arg12: memref<!tpu.dma_semaphore, #tpu.memory_space<semaphore_mem>>) attributes {dimension_semantics = [#tpu.dimension_semantics<core_parallel>, #tpu.dimension_semantics<subcore_parallel>], iteration_bounds = array<i64: 2, 16>, scalar_prefetch = 0 : i64, scratch_operands = 7 : i64, tpu.core_type = #tpu.core_type<sc_vector_subcore>, window_params = [{transform_indices = #map}, {transform_indices = #map1}, {transform_indices = #map1}, {transform_indices = #map1}]} {
    %mul3A = arith.constant 16 : i32
    %mul3A_0 = arith.muli %arg0, %mul3A : i32
    %add3A = arith.addi %mul3A_0, %arg1 : i32
    %broadcast_in_dim3A = arith.constant 0.000000e+00 : f32
    %broadcast_in_dim3A_1 = vector.broadcast %broadcast_in_dim3A : f32 to vector<16xf32>
    %scan3A = arith.constant 0 : i32
    %scan3A_2 = arith.constant 125 : i32
    %scan3A_3 = arith.addi %scan3A, %scan3A_2 : i32
    %scan3A_4 = arith.constant 1 : i32
    scf.for %scan3A_21 = %scan3A to %scan3A_3 step %scan3A_4  : i32 {
      %mul3A_22 = arith.constant 1 : i32
      %mul3A_23 = arith.muli %scan3A_21, %mul3A_22 : i32
      %add3A_24 = arith.constant 0 : i32
      %add3A_25 = arith.addi %add3A_24, %mul3A_23 : i32
      %scan3A_26 = arith.constant 0 : i32
      %scan3A_27 = arith.constant 8 : i32
      %scan3A_28 = arith.addi %scan3A_26, %scan3A_27 : i32
      %scan3A_29 = arith.constant 1 : i32
      scf.for %scan3A_31 = %scan3A_26 to %scan3A_28 step %scan3A_29  : i32 {
        %mul3A_32 = arith.constant 16 : i32
        %mul3A_33 = arith.muli %scan3A_31, %mul3A_32 : i32
        %add3A_34 = arith.constant 0 : i32
        %add3A_35 = arith.addi %add3A_34, %mul3A_33 : i32
        %swap3A = arith.index_cast %add3A_25 : i32 to index
        %swap3A_36 = arith.index_cast %add3A_35 : i32 to index
        %swap3A_37 = tpu.vector_load %arg8[%swap3A, %swap3A_36] {strides = array<i32>} : memref<125x128xf32, #tpu.memory_space<vmem>>, vector<16xf32>,
        tpu.vector_store %arg8[%swap3A, %swap3A_36], %broadcast_in_dim3A_1 {strides = array<i32>} : memref<125x128xf32, #tpu.memory_space<vmem>>, vector<16xf32>,
      }
      %scan3A_30 = arith.constant 8 : i32
    }
    %scan3A_5 = arith.constant 125 : i32
    %scan3A_6 = arith.constant 0 : i32
    %scan3A_7 = arith.constant 10 : i32
    %scan3A_8 = arith.addi %scan3A_6, %scan3A_7 : i32
    %scan3A_9 = arith.constant 1 : i32
    scf.for %scan3A_21 = %scan3A_6 to %scan3A_8 step %scan3A_9  : i32 {
      %mul3A_22 = arith.constant 64 : i32
      %mul3A_23 = arith.muli %scan3A_21, %mul3A_22 : i32
      %add3A_24 = arith.constant 0 : i32
      %add3A_25 = arith.addi %add3A_24, %mul3A_23 : i32
      %mul3A_26 = arith.constant 624 : i32
      %mul3A_27 = arith.muli %arg1, %mul3A_26 : i32
      %add3A_28 = arith.addi %mul3A_27, %add3A_25 : i32
      "tpu.region"() ({
        %run_scoped3A = tpu.sem_alloc : memref<!tpu.dma_semaphore, #tpu.memory_space<semaphore_mem>>
        %dma_start3A = arith.constant 0 : i32
        %dma_start3A_29 = arith.constant 0 : i32
        %dma_start3A_30 = tpu.memref_slice %arg8[%dma_start3A, %dma_start3A_29] : memref<125x128xf32, #tpu.memory_space<vmem>> -> memref<64x128xf32, #tpu.memory_space<vmem>>
        %dma_start3A_31 = arith.constant 0 : i32
        %dma_start3A_32 = tpu.memref_slice %arg10[%add3A_28, %dma_start3A_31] : memref<10000x128xf32, #tpu.memory_space<vmem_shared>> -> memref<64x128xf32, #tpu.memory_space<vmem_shared>>
        %dma_start3A_33 = arith.constant 0 : i32
        %dma_start3A_34 = tpu.memref_slice %arg10[%add3A_28, %dma_start3A_33] : memref<10000x128xf32, #tpu.memory_space<vmem_shared>> -> memref<64x128xf32, #tpu.memory_space<vmem_shared>>
        %dma_start3A_35 = arith.constant 0 : i32
        %dma_start3A_36 = arith.constant 0 : i32
        %dma_start3A_37 = tpu.memref_slice %arg8[%dma_start3A_35, %dma_start3A_36] : memref<125x128xf32, #tpu.memory_space<vmem>> -> memref<64x128xf32, #tpu.memory_space<vmem>>
        tpu.enqueue_dma source(%dma_start3A_37 : memref<64x128xf32, #tpu.memory_space<vmem>>) target(%dma_start3A_34 : memref<64x128xf32, #tpu.memory_space<vmem_shared>>) target_semaphore(%run_scoped3A : memref<!tpu.dma_semaphore, #tpu.memory_space<semaphore_mem>>)
        %dma_wait3A = arith.constant 0 : i32
        %dma_wait3A_38 = arith.constant 0 : i32
        %dma_wait3A_39 = tpu.memref_slice %arg8[%dma_wait3A, %dma_wait3A_38] : memref<125x128xf32, #tpu.memory_space<vmem>> -> memref<64x128xf32, #tpu.memory_space<vmem>>
        %dma_wait3A_40 = arith.constant 0 : i32
        %dma_wait3A_41 = tpu.memref_slice %arg10[%add3A_28, %dma_wait3A_40] : memref<10000x128xf32, #tpu.memory_space<vmem_shared>> -> memref<64x128xf32, #tpu.memory_space<vmem_shared>>
        %dma_wait3A_42 = arith.constant 0 : i32
        %dma_wait3A_43 = tpu.memref_slice %arg10[%add3A_28, %dma_wait3A_42] : memref<10000x128xf32, #tpu.memory_space<vmem_shared>> -> memref<64x128xf32, #tpu.memory_space<vmem_shared>>
        %dma_wait3A_44 = arith.constant 0 : i32
        %dma_wait3A_45 = arith.constant 0 : i32
        %dma_wait3A_46 = tpu.memref_slice %arg8[%dma_wait3A_44, %dma_wait3A_45] : memref<125x128xf32, #tpu.memory_space<vmem>> -> memref<64x128xf32, #tpu.memory_space<vmem>>
        tpu.wait_dma2 semaphore(%run_scoped3A : memref<!tpu.dma_semaphore, #tpu.memory_space<semaphore_mem>>) src(%dma_wait3A_46 : memref<64x128xf32, #tpu.memory_space<vmem>>) dst(%dma_wait3A_43 : memref<64x128xf32, #tpu.memory_space<vmem_shared>>)
        tpu.yield
      }) : () -> ()
    }
    %scan3A_10 = arith.constant 10 : i32
    %barrier3A = arith.constant 0 : index
    tpu.barrier barrier_id(%barrier3A)
    %scan3A_11 = arith.constant 0 : i32
    %scan3A_12 = arith.constant 2 : i32
    %scan3A_13 = arith.addi %scan3A_11, %scan3A_12 : i32
    %scan3A_14 = arith.constant 1 : i32
    scf.for %scan3A_21 = %scan3A_11 to %scan3A_13 step %scan3A_14  : i32 {
      %mul3A_22 = arith.constant 1 : i32
      %mul3A_23 = arith.muli %scan3A_21, %mul3A_22 : i32
      %add3A_24 = arith.constant 0 : i32
      %add3A_25 = arith.addi %add3A_24, %mul3A_23 : i32
      %mul3A_26 = arith.constant 40 : i32
      %mul3A_27 = arith.muli %add3A_25, %mul3A_26 : i32
      "tpu.region"() ({
        %run_scoped3A_62 = tpu.sem_alloc : memref<!tpu.dma_semaphore, #tpu.memory_space<semaphore_mem>>
        %dma_start3A_63 = arith.constant 0 : i32
        %dma_start3A_64 = tpu.memref_slice %arg3[%add3A, %mul3A_27, %dma_start3A_63] : memref<32x80x125xi32, #tpu.memory_space<hbm>> -> memref<1x40x125xi32, #tpu.memory_space<hbm>>
        %dma_start3A_65 = tpu.memref_squeeze %dma_start3A_64 : memref<1x40x125xi32, #tpu.memory_space<hbm>> -> memref<40x125xi32, #tpu.memory_space<hbm>>
        %dma_start3A_66 = arith.constant 0 : i32
        %dma_start3A_67 = tpu.memref_slice %arg3[%add3A, %mul3A_27, %dma_start3A_66] : memref<32x80x125xi32, #tpu.memory_space<hbm>> -> memref<1x40x125xi32, #tpu.memory_space<hbm>>
        %dma_start3A_68 = tpu.memref_squeeze %dma_start3A_67 : memref<1x40x125xi32, #tpu.memory_space<hbm>> -> memref<40x125xi32, #tpu.memory_space<hbm>>
        tpu.enqueue_dma source(%dma_start3A_68 : memref<40x125xi32, #tpu.memory_space<hbm>>) target(%arg6 : memref<40x125xi32, #tpu.memory_space<vmem>>) target_semaphore(%run_scoped3A_62 : memref<!tpu.dma_semaphore, #tpu.memory_space<semaphore_mem>>)
        %dma_wait3A_69 = arith.constant 0 : i32
        %dma_wait3A_70 = tpu.memref_slice %arg3[%add3A, %mul3A_27, %dma_wait3A_69] : memref<32x80x125xi32, #tpu.memory_space<hbm>> -> memref<1x40x125xi32, #tpu.memory_space<hbm>>
        %dma_wait3A_71 = tpu.memref_squeeze %dma_wait3A_70 : memref<1x40x125xi32, #tpu.memory_space<hbm>> -> memref<40x125xi32, #tpu.memory_space<hbm>>
        %dma_wait3A_72 = arith.constant 0 : i32
        %dma_wait3A_73 = tpu.memref_slice %arg3[%add3A, %mul3A_27, %dma_wait3A_72] : memref<32x80x125xi32, #tpu.memory_space<hbm>> -> memref<1x40x125xi32, #tpu.memory_space<hbm>>
        %dma_wait3A_74 = tpu.memref_squeeze %dma_wait3A_73 : memref<1x40x125xi32, #tpu.memory_space<hbm>> -> memref<40x125xi32, #tpu.memory_space<hbm>>
        tpu.wait_dma2 semaphore(%run_scoped3A_62 : memref<!tpu.dma_semaphore, #tpu.memory_space<semaphore_mem>>) src(%dma_wait3A_74 : memref<40x125xi32, #tpu.memory_space<hbm>>) dst(%arg6 : memref<40x125xi32, #tpu.memory_space<vmem>>)
        tpu.yield
      }) : () -> ()
      %mul3A_28 = arith.constant 40 : i32
      %mul3A_29 = arith.muli %add3A_25, %mul3A_28 : i32
      "tpu.region"() ({
        %run_scoped3A_62 = tpu.sem_alloc : memref<!tpu.dma_semaphore, #tpu.memory_space<semaphore_mem>>
        %dma_start3A_63 = arith.constant 0 : i32
        %dma_start3A_64 = tpu.memref_slice %arg4[%add3A, %mul3A_29, %dma_start3A_63] : memref<32x80x125xi32, #tpu.memory_space<hbm>> -> memref<1x40x125xi32, #tpu.memory_space<hbm>>
        %dma_start3A_65 = tpu.memref_squeeze %dma_start3A_64 : memref<1x40x125xi32, #tpu.memory_space<hbm>> -> memref<40x125xi32, #tpu.memory_space<hbm>>
        %dma_start3A_66 = arith.constant 0 : i32
        %dma_start3A_67 = tpu.memref_slice %arg4[%add3A, %mul3A_29, %dma_start3A_66] : memref<32x80x125xi32, #tpu.memory_space<hbm>> -> memref<1x40x125xi32, #tpu.memory_space<hbm>>
        %dma_start3A_68 = tpu.memref_squeeze %dma_start3A_67 : memref<1x40x125xi32, #tpu.memory_space<hbm>> -> memref<40x125xi32, #tpu.memory_space<hbm>>
        tpu.enqueue_dma source(%dma_start3A_68 : memref<40x125xi32, #tpu.memory_space<hbm>>) target(%arg7 : memref<40x125xi32, #tpu.memory_space<vmem>>) target_semaphore(%run_scoped3A_62 : memref<!tpu.dma_semaphore, #tpu.memory_space<semaphore_mem>>)
        %dma_wait3A_69 = arith.constant 0 : i32
        %dma_wait3A_70 = tpu.memref_slice %arg4[%add3A, %mul3A_29, %dma_wait3A_69] : memref<32x80x125xi32, #tpu.memory_space<hbm>> -> memref<1x40x125xi32, #tpu.memory_space<hbm>>
        %dma_wait3A_71 = tpu.memref_squeeze %dma_wait3A_70 : memref<1x40x125xi32, #tpu.memory_space<hbm>> -> memref<40x125xi32, #tpu.memory_space<hbm>>
        %dma_wait3A_72 = arith.constant 0 : i32
        %dma_wait3A_73 = tpu.memref_slice %arg4[%add3A, %mul3A_29, %dma_wait3A_72] : memref<32x80x125xi32, #tpu.memory_space<hbm>> -> memref<1x40x125xi32, #tpu.memory_space<hbm>>
        %dma_wait3A_74 = tpu.memref_squeeze %dma_wait3A_73 : memref<1x40x125xi32, #tpu.memory_space<hbm>> -> memref<40x125xi32, #tpu.memory_space<hbm>>
        tpu.wait_dma2 semaphore(%run_scoped3A_62 : memref<!tpu.dma_semaphore, #tpu.memory_space<semaphore_mem>>) src(%dma_wait3A_74 : memref<40x125xi32, #tpu.memory_space<hbm>>) dst(%arg7 : memref<40x125xi32, #tpu.memory_space<vmem>>)
        tpu.yield
      }) : () -> ()
      %dma_start3A = arith.constant 0 : i32
      %dma_start3A_30 = arith.constant 0 : i32
      %dma_start3A_31 = tpu.memref_slice %arg7[%dma_start3A, %dma_start3A_30] : memref<40x125xi32, #tpu.memory_space<vmem>> -> memref<1x125xi32, #tpu.memory_space<vmem>>
      %dma_start3A_32 = tpu.memref_squeeze %dma_start3A_31 : memref<1x125xi32, #tpu.memory_space<vmem>> -> memref<125xi32, #tpu.memory_space<vmem>>
      %dma_start3A_33 = arith.constant 0 : i32
      %dma_start3A_34 = arith.constant 0 : i32
      %dma_start3A_35 = tpu.memref_slice %arg2[%dma_start3A_33, %dma_start3A_34] : memref<10000x128xf32, #tpu.memory_space<hbm>> -> memref<10000x128xf32, #tpu.memory_space<hbm>>
      tpu.enqueue_indirect_dma source(%dma_start3A_35 : memref<10000x128xf32, #tpu.memory_space<hbm>>) target(%arg8 : memref<125x128xf32, #tpu.memory_space<vmem>>) offsets(%dma_start3A_32 : memref<125xi32, #tpu.memory_space<vmem>>) semaphore(%arg11 : memref<!tpu.dma_semaphore, #tpu.memory_space<semaphore_mem>>)
      %scan3A_36 = arith.constant 0 : i32
      %scan3A_37 = arith.constant 19 : i32
      %scan3A_38 = arith.addi %scan3A_36, %scan3A_37 : i32
      %scan3A_39 = arith.constant 1 : i32
      scf.for %scan3A_62 = %scan3A_36 to %scan3A_38 step %scan3A_39  : i32 {
        %mul3A_63 = arith.constant 2 : i32
        %mul3A_64 = arith.muli %scan3A_62, %mul3A_63 : i32
        %add3A_65 = arith.constant 0 : i32
        %add3A_66 = arith.addi %add3A_65, %mul3A_64 : i32
        %add3A_67 = arith.constant 1 : i32
        %add3A_68 = arith.addi %add3A_66, %add3A_67 : i32
        %dma_start3A_69 = arith.constant 0 : i32
        %dma_start3A_70 = tpu.memref_slice %arg7[%add3A_68, %dma_start3A_69] : memref<40x125xi32, #tpu.memory_space<vmem>> -> memref<1x125xi32, #tpu.memory_space<vmem>>
        %dma_start3A_71 = tpu.memref_squeeze %dma_start3A_70 : memref<1x125xi32, #tpu.memory_space<vmem>> -> memref<125xi32, #tpu.memory_space<vmem>>
        %dma_start3A_72 = arith.constant 0 : i32
        %dma_start3A_73 = arith.constant 0 : i32
        %dma_start3A_74 = tpu.memref_slice %arg2[%dma_start3A_72, %dma_start3A_73] : memref<10000x128xf32, #tpu.memory_space<hbm>> -> memref<10000x128xf32, #tpu.memory_space<hbm>>
        tpu.enqueue_indirect_dma source(%dma_start3A_74 : memref<10000x128xf32, #tpu.memory_space<hbm>>) target(%arg9 : memref<125x128xf32, #tpu.memory_space<vmem>>) offsets(%dma_start3A_71 : memref<125xi32, #tpu.memory_space<vmem>>) semaphore(%arg12 : memref<!tpu.dma_semaphore, #tpu.memory_space<semaphore_mem>>)
        %dma_wait3A_75 = arith.constant 0 : i32
        %dma_wait3A_76 = tpu.memref_slice %arg7[%add3A_66, %dma_wait3A_75] : memref<40x125xi32, #tpu.memory_space<vmem>> -> memref<1x125xi32, #tpu.memory_space<vmem>>
        %dma_wait3A_77 = tpu.memref_squeeze %dma_wait3A_76 : memref<1x125xi32, #tpu.memory_space<vmem>> -> memref<125xi32, #tpu.memory_space<vmem>>
        %dma_wait3A_78 = arith.constant 0 : i32
        %dma_wait3A_79 = arith.constant 0 : i32
        %dma_wait3A_80 = tpu.memref_slice %arg2[%dma_wait3A_78, %dma_wait3A_79] : memref<10000x128xf32, #tpu.memory_space<hbm>> -> memref<10000x128xf32, #tpu.memory_space<hbm>>
        tpu.wait_indirect_dma semaphore(%arg11 : memref<!tpu.dma_semaphore, #tpu.memory_space<semaphore_mem>>) src(%dma_wait3A_80 : memref<10000x128xf32, #tpu.memory_space<hbm>>) dst(%arg8 : memref<125x128xf32, #tpu.memory_space<vmem>>)
        "tpu.region"() ({
          %run_scoped3A_99 = tpu.sem_alloc : memref<!tpu.dma_semaphore, #tpu.memory_space<semaphore_mem>>
          %dma_start3A_100 = arith.constant 0 : i32
          %dma_start3A_101 = tpu.memref_slice %arg6[%add3A_66, %dma_start3A_100] : memref<40x125xi32, #tpu.memory_space<vmem>> -> memref<1x125xi32, #tpu.memory_space<vmem>>
          %dma_start3A_102 = tpu.memref_squeeze %dma_start3A_101 : memref<1x125xi32, #tpu.memory_space<vmem>> -> memref<125xi32, #tpu.memory_space<vmem>>
          %dma_start3A_103 = arith.constant 0 : i32
          %dma_start3A_104 = arith.constant 0 : i32
          %dma_start3A_105 = tpu.memref_slice %arg10[%dma_start3A_103, %dma_start3A_104] : memref<10000x128xf32, #tpu.memory_space<vmem_shared>> -> memref<10000x128xf32, #tpu.memory_space<vmem_shared>>
          tpu.enqueue_indirect_dma source(%arg8 : memref<125x128xf32, #tpu.memory_space<vmem>>) target(%dma_start3A_105 : memref<10000x128xf32, #tpu.memory_space<vmem_shared>>) offsets(%dma_start3A_102 : memref<125xi32, #tpu.memory_space<vmem>>) semaphore(%run_scoped3A_99 : memref<!tpu.dma_semaphore, #tpu.memory_space<semaphore_mem>>) {add = true}
          %dma_wait3A_106 = arith.constant 0 : i32
          %dma_wait3A_107 = tpu.memref_slice %arg6[%add3A_66, %dma_wait3A_106] : memref<40x125xi32, #tpu.memory_space<vmem>> -> memref<1x125xi32, #tpu.memory_space<vmem>>
          %dma_wait3A_108 = tpu.memref_squeeze %dma_wait3A_107 : memref<1x125xi32, #tpu.memory_space<vmem>> -> memref<125xi32, #tpu.memory_space<vmem>>
          %dma_wait3A_109 = arith.constant 0 : i32
          %dma_wait3A_110 = arith.constant 0 : i32
          %dma_wait3A_111 = tpu.memref_slice %arg10[%dma_wait3A_109, %dma_wait3A_110] : memref<10000x128xf32, #tpu.memory_space<vmem_shared>> -> memref<10000x128xf32, #tpu.memory_space<vmem_shared>>
          tpu.wait_indirect_dma semaphore(%run_scoped3A_99 : memref<!tpu.dma_semaphore, #tpu.memory_space<semaphore_mem>>) src(%arg8 : memref<125x128xf32, #tpu.memory_space<vmem>>) dst(%dma_wait3A_111 : memref<10000x128xf32, #tpu.memory_space<vmem_shared>>)
          tpu.yield
        }) : () -> ()
        %add3A_81 = arith.constant 2 : i32
        %add3A_82 = arith.addi %add3A_66, %add3A_81 : i32
        %dma_start3A_83 = arith.constant 0 : i32
        %dma_start3A_84 = tpu.memref_slice %arg7[%add3A_82, %dma_start3A_83] : memref<40x125xi32, #tpu.memory_space<vmem>> -> memref<1x125xi32, #tpu.memory_space<vmem>>
        %dma_start3A_85 = tpu.memref_squeeze %dma_start3A_84 : memref<1x125xi32, #tpu.memory_space<vmem>> -> memref<125xi32, #tpu.memory_space<vmem>>
        %dma_start3A_86 = arith.constant 0 : i32
        %dma_start3A_87 = arith.constant 0 : i32
        %dma_start3A_88 = tpu.memref_slice %arg2[%dma_start3A_86, %dma_start3A_87] : memref<10000x128xf32, #tpu.memory_space<hbm>> -> memref<10000x128xf32, #tpu.memory_space<hbm>>
        tpu.enqueue_indirect_dma source(%dma_start3A_88 : memref<10000x128xf32, #tpu.memory_space<hbm>>) target(%arg8 : memref<125x128xf32, #tpu.memory_space<vmem>>) offsets(%dma_start3A_85 : memref<125xi32, #tpu.memory_space<vmem>>) semaphore(%arg11 : memref<!tpu.dma_semaphore, #tpu.memory_space<semaphore_mem>>)
        %add3A_89 = arith.constant 1 : i32
        %add3A_90 = arith.addi %add3A_66, %add3A_89 : i32
        %dma_wait3A_91 = arith.constant 0 : i32
        %dma_wait3A_92 = tpu.memref_slice %arg7[%add3A_90, %dma_wait3A_91] : memref<40x125xi32, #tpu.memory_space<vmem>> -> memref<1x125xi32, #tpu.memory_space<vmem>>
        %dma_wait3A_93 = tpu.memref_squeeze %dma_wait3A_92 : memref<1x125xi32, #tpu.memory_space<vmem>> -> memref<125xi32, #tpu.memory_space<vmem>>
        %dma_wait3A_94 = arith.constant 0 : i32
        %dma_wait3A_95 = arith.constant 0 : i32
        %dma_wait3A_96 = tpu.memref_slice %arg2[%dma_wait3A_94, %dma_wait3A_95] : memref<10000x128xf32, #tpu.memory_space<hbm>> -> memref<10000x128xf32, #tpu.memory_space<hbm>>
        tpu.wait_indirect_dma semaphore(%arg12 : memref<!tpu.dma_semaphore, #tpu.memory_space<semaphore_mem>>) src(%dma_wait3A_96 : memref<10000x128xf32, #tpu.memory_space<hbm>>) dst(%arg9 : memref<125x128xf32, #tpu.memory_space<vmem>>)
        %add3A_97 = arith.constant 1 : i32
        %add3A_98 = arith.addi %add3A_66, %add3A_97 : i32
        "tpu.region"() ({
          %run_scoped3A_99 = tpu.sem_alloc : memref<!tpu.dma_semaphore, #tpu.memory_space<semaphore_mem>>
          %dma_start3A_100 = arith.constant 0 : i32
          %dma_start3A_101 = tpu.memref_slice %arg6[%add3A_98, %dma_start3A_100] : memref<40x125xi32, #tpu.memory_space<vmem>> -> memref<1x125xi32, #tpu.memory_space<vmem>>
          %dma_start3A_102 = tpu.memref_squeeze %dma_start3A_101 : memref<1x125xi32, #tpu.memory_space<vmem>> -> memref<125xi32, #tpu.memory_space<vmem>>
          %dma_start3A_103 = arith.constant 0 : i32
          %dma_start3A_104 = arith.constant 0 : i32
          %dma_start3A_105 = tpu.memref_slice %arg10[%dma_start3A_103, %dma_start3A_104] : memref<10000x128xf32, #tpu.memory_space<vmem_shared>> -> memref<10000x128xf32, #tpu.memory_space<vmem_shared>>
          tpu.enqueue_indirect_dma source(%arg9 : memref<125x128xf32, #tpu.memory_space<vmem>>) target(%dma_start3A_105 : memref<10000x128xf32, #tpu.memory_space<vmem_shared>>) offsets(%dma_start3A_102 : memref<125xi32, #tpu.memory_space<vmem>>) semaphore(%run_scoped3A_99 : memref<!tpu.dma_semaphore, #tpu.memory_space<semaphore_mem>>) {add = true}
          %dma_wait3A_106 = arith.constant 0 : i32
          %dma_wait3A_107 = tpu.memref_slice %arg6[%add3A_98, %dma_wait3A_106] : memref<40x125xi32, #tpu.memory_space<vmem>> -> memref<1x125xi32, #tpu.memory_space<vmem>>
          %dma_wait3A_108 = tpu.memref_squeeze %dma_wait3A_107 : memref<1x125xi32, #tpu.memory_space<vmem>> -> memref<125xi32, #tpu.memory_space<vmem>>
          %dma_wait3A_109 = arith.constant 0 : i32
          %dma_wait3A_110 = arith.constant 0 : i32
          %dma_wait3A_111 = tpu.memref_slice %arg10[%dma_wait3A_109, %dma_wait3A_110] : memref<10000x128xf32, #tpu.memory_space<vmem_shared>> -> memref<10000x128xf32, #tpu.memory_space<vmem_shared>>
          tpu.wait_indirect_dma semaphore(%run_scoped3A_99 : memref<!tpu.dma_semaphore, #tpu.memory_space<semaphore_mem>>) src(%arg9 : memref<125x128xf32, #tpu.memory_space<vmem>>) dst(%dma_wait3A_111 : memref<10000x128xf32, #tpu.memory_space<vmem_shared>>)
          tpu.yield
        }) : () -> ()
      }
      %scan3A_40 = arith.constant 19 : i32
      %dma_start3A_41 = arith.constant 39 : i32
      %dma_start3A_42 = arith.constant 0 : i32
      %dma_start3A_43 = tpu.memref_slice %arg7[%dma_start3A_41, %dma_start3A_42] : memref<40x125xi32, #tpu.memory_space<vmem>> -> memref<1x125xi32, #tpu.memory_space<vmem>>
      %dma_start3A_44 = tpu.memref_squeeze %dma_start3A_43 : memref<1x125xi32, #tpu.memory_space<vmem>> -> memref<125xi32, #tpu.memory_space<vmem>>
      %dma_start3A_45 = arith.constant 0 : i32
      %dma_start3A_46 = arith.constant 0 : i32
      %dma_start3A_47 = tpu.memref_slice %arg2[%dma_start3A_45, %dma_start3A_46] : memref<10000x128xf32, #tpu.memory_space<hbm>> -> memref<10000x128xf32, #tpu.memory_space<hbm>>
      tpu.enqueue_indirect_dma source(%dma_start3A_47 : memref<10000x128xf32, #tpu.memory_space<hbm>>) target(%arg9 : memref<125x128xf32, #tpu.memory_space<vmem>>) offsets(%dma_start3A_44 : memref<125xi32, #tpu.memory_space<vmem>>) semaphore(%arg12 : memref<!tpu.dma_semaphore, #tpu.memory_space<semaphore_mem>>)
      %dma_wait3A = arith.constant 38 : i32
      %dma_wait3A_48 = arith.constant 0 : i32
      %dma_wait3A_49 = tpu.memref_slice %arg7[%dma_wait3A, %dma_wait3A_48] : memref<40x125xi32, #tpu.memory_space<vmem>> -> memref<1x125xi32, #tpu.memory_space<vmem>>
      %dma_wait3A_50 = tpu.memref_squeeze %dma_wait3A_49 : memref<1x125xi32, #tpu.memory_space<vmem>> -> memref<125xi32, #tpu.memory_space<vmem>>
      %dma_wait3A_51 = arith.constant 0 : i32
      %dma_wait3A_52 = arith.constant 0 : i32
      %dma_wait3A_53 = tpu.memref_slice %arg2[%dma_wait3A_51, %dma_wait3A_52] : memref<10000x128xf32, #tpu.memory_space<hbm>> -> memref<10000x128xf32, #tpu.memory_space<hbm>>
      tpu.wait_indirect_dma semaphore(%arg11 : memref<!tpu.dma_semaphore, #tpu.memory_space<semaphore_mem>>) src(%dma_wait3A_53 : memref<10000x128xf32, #tpu.memory_space<hbm>>) dst(%arg8 : memref<125x128xf32, #tpu.memory_space<vmem>>)
      %run_scoped3A = arith.constant 38 : i32
      "tpu.region"() ({
        %run_scoped3A_62 = tpu.sem_alloc : memref<!tpu.dma_semaphore, #tpu.memory_space<semaphore_mem>>
        %dma_start3A_63 = arith.constant 0 : i32
        %dma_start3A_64 = tpu.memref_slice %arg6[%run_scoped3A, %dma_start3A_63] : memref<40x125xi32, #tpu.memory_space<vmem>> -> memref<1x125xi32, #tpu.memory_space<vmem>>
        %dma_start3A_65 = tpu.memref_squeeze %dma_start3A_64 : memref<1x125xi32, #tpu.memory_space<vmem>> -> memref<125xi32, #tpu.memory_space<vmem>>
        %dma_start3A_66 = arith.constant 0 : i32
        %dma_start3A_67 = arith.constant 0 : i32
        %dma_start3A_68 = tpu.memref_slice %arg10[%dma_start3A_66, %dma_start3A_67] : memref<10000x128xf32, #tpu.memory_space<vmem_shared>> -> memref<10000x128xf32, #tpu.memory_space<vmem_shared>>
        tpu.enqueue_indirect_dma source(%arg8 : memref<125x128xf32, #tpu.memory_space<vmem>>) target(%dma_start3A_68 : memref<10000x128xf32, #tpu.memory_space<vmem_shared>>) offsets(%dma_start3A_65 : memref<125xi32, #tpu.memory_space<vmem>>) semaphore(%run_scoped3A_62 : memref<!tpu.dma_semaphore, #tpu.memory_space<semaphore_mem>>) {add = true}
        %dma_wait3A_69 = arith.constant 0 : i32
        %dma_wait3A_70 = tpu.memref_slice %arg6[%run_scoped3A, %dma_wait3A_69] : memref<40x125xi32, #tpu.memory_space<vmem>> -> memref<1x125xi32, #tpu.memory_space<vmem>>
        %dma_wait3A_71 = tpu.memref_squeeze %dma_wait3A_70 : memref<1x125xi32, #tpu.memory_space<vmem>> -> memref<125xi32, #tpu.memory_space<vmem>>
        %dma_wait3A_72 = arith.constant 0 : i32
        %dma_wait3A_73 = arith.constant 0 : i32
        %dma_wait3A_74 = tpu.memref_slice %arg10[%dma_wait3A_72, %dma_wait3A_73] : memref<10000x128xf32, #tpu.memory_space<vmem_shared>> -> memref<10000x128xf32, #tpu.memory_space<vmem_shared>>
        tpu.wait_indirect_dma semaphore(%run_scoped3A_62 : memref<!tpu.dma_semaphore, #tpu.memory_space<semaphore_mem>>) src(%arg8 : memref<125x128xf32, #tpu.memory_space<vmem>>) dst(%dma_wait3A_74 : memref<10000x128xf32, #tpu.memory_space<vmem_shared>>)
        tpu.yield
      }) : () -> ()
      %dma_wait3A_54 = arith.constant 39 : i32
      %dma_wait3A_55 = arith.constant 0 : i32
      %dma_wait3A_56 = tpu.memref_slice %arg7[%dma_wait3A_54, %dma_wait3A_55] : memref<40x125xi32, #tpu.memory_space<vmem>> -> memref<1x125xi32, #tpu.memory_space<vmem>>
      %dma_wait3A_57 = tpu.memref_squeeze %dma_wait3A_56 : memref<1x125xi32, #tpu.memory_space<vmem>> -> memref<125xi32, #tpu.memory_space<vmem>>
      %dma_wait3A_58 = arith.constant 0 : i32
      %dma_wait3A_59 = arith.constant 0 : i32
      %dma_wait3A_60 = tpu.memref_slice %arg2[%dma_wait3A_58, %dma_wait3A_59] : memref<10000x128xf32, #tpu.memory_space<hbm>> -> memref<10000x128xf32, #tpu.memory_space<hbm>>
      tpu.wait_indirect_dma semaphore(%arg12 : memref<!tpu.dma_semaphore, #tpu.memory_space<semaphore_mem>>) src(%dma_wait3A_60 : memref<10000x128xf32, #tpu.memory_space<hbm>>) dst(%arg9 : memref<125x128xf32, #tpu.memory_space<vmem>>)
      %run_scoped3A_61 = arith.constant 39 : i32
      "tpu.region"() ({
        %run_scoped3A_62 = tpu.sem_alloc : memref<!tpu.dma_semaphore, #tpu.memory_space<semaphore_mem>>
        %dma_start3A_63 = arith.constant 0 : i32
        %dma_start3A_64 = tpu.memref_slice %arg6[%run_scoped3A_61, %dma_start3A_63] : memref<40x125xi32, #tpu.memory_space<vmem>> -> memref<1x125xi32, #tpu.memory_space<vmem>>
        %dma_start3A_65 = tpu.memref_squeeze %dma_start3A_64 : memref<1x125xi32, #tpu.memory_space<vmem>> -> memref<125xi32, #tpu.memory_space<vmem>>
        %dma_start3A_66 = arith.constant 0 : i32
        %dma_start3A_67 = arith.constant 0 : i32
        %dma_start3A_68 = tpu.memref_slice %arg10[%dma_start3A_66, %dma_start3A_67] : memref<10000x128xf32, #tpu.memory_space<vmem_shared>> -> memref<10000x128xf32, #tpu.memory_space<vmem_shared>>
        tpu.enqueue_indirect_dma source(%arg9 : memref<125x128xf32, #tpu.memory_space<vmem>>) target(%dma_start3A_68 : memref<10000x128xf32, #tpu.memory_space<vmem_shared>>) offsets(%dma_start3A_65 : memref<125xi32, #tpu.memory_space<vmem>>) semaphore(%run_scoped3A_62 : memref<!tpu.dma_semaphore, #tpu.memory_space<semaphore_mem>>) {add = true}
        %dma_wait3A_69 = arith.constant 0 : i32
        %dma_wait3A_70 = tpu.memref_slice %arg6[%run_scoped3A_61, %dma_wait3A_69] : memref<40x125xi32, #tpu.memory_space<vmem>> -> memref<1x125xi32, #tpu.memory_space<vmem>>
        %dma_wait3A_71 = tpu.memref_squeeze %dma_wait3A_70 : memref<1x125xi32, #tpu.memory_space<vmem>> -> memref<125xi32, #tpu.memory_space<vmem>>
        %dma_wait3A_72 = arith.constant 0 : i32
        %dma_wait3A_73 = arith.constant 0 : i32
        %dma_wait3A_74 = tpu.memref_slice %arg10[%dma_wait3A_72, %dma_wait3A_73] : memref<10000x128xf32, #tpu.memory_space<vmem_shared>> -> memref<10000x128xf32, #tpu.memory_space<vmem_shared>>
        tpu.wait_indirect_dma semaphore(%run_scoped3A_62 : memref<!tpu.dma_semaphore, #tpu.memory_space<semaphore_mem>>) src(%arg9 : memref<125x128xf32, #tpu.memory_space<vmem>>) dst(%dma_wait3A_74 : memref<10000x128xf32, #tpu.memory_space<vmem_shared>>)
        tpu.yield
      }) : () -> ()
    }
    %scan3A_15 = arith.constant 2 : i32
    %barrier3A_16 = arith.constant 0 : index
    tpu.barrier barrier_id(%barrier3A_16)
    %mul3A_17 = arith.constant 624 : i32
    %mul3A_18 = arith.muli %arg1, %mul3A_17 : i32
    %mul3A_19 = arith.constant 624 : i32
    %mul3A_20 = arith.muli %arg1, %mul3A_19 : i32
    "tpu.region"() ({
      %run_scoped3A = tpu.sem_alloc : memref<!tpu.dma_semaphore, #tpu.memory_space<semaphore_mem>>
      %dma_start3A = arith.constant 0 : i32
      %dma_start3A_21 = tpu.memref_slice %arg5[%arg0, %mul3A_20, %dma_start3A] : memref<2x10000x128xf32, #tpu.memory_space<hbm>> -> memref<1x640x128xf32, #tpu.memory_space<hbm>>
      %dma_start3A_22 = tpu.memref_squeeze %dma_start3A_21 : memref<1x640x128xf32, #tpu.memory_space<hbm>> -> memref<640x128xf32, #tpu.memory_space<hbm>>
      %dma_start3A_23 = arith.constant 0 : i32
      %dma_start3A_24 = tpu.memref_slice %arg10[%mul3A_18, %dma_start3A_23] : memref<10000x128xf32, #tpu.memory_space<vmem_shared>> -> memref<640x128xf32, #tpu.memory_space<vmem_shared>>
      tpu.enqueue_dma source(%dma_start3A_24 : memref<640x128xf32, #tpu.memory_space<vmem_shared>>) target(%dma_start3A_22 : memref<640x128xf32, #tpu.memory_space<hbm>>) target_semaphore(%run_scoped3A : memref<!tpu.dma_semaphore, #tpu.memory_space<semaphore_mem>>)
      %dma_wait3A = arith.constant 0 : i32
      %dma_wait3A_25 = tpu.memref_slice %arg5[%arg0, %mul3A_20, %dma_wait3A] : memref<2x10000x128xf32, #tpu.memory_space<hbm>> -> memref<1x640x128xf32, #tpu.memory_space<hbm>>
      %dma_wait3A_26 = tpu.memref_squeeze %dma_wait3A_25 : memref<1x640x128xf32, #tpu.memory_space<hbm>> -> memref<640x128xf32, #tpu.memory_space<hbm>>
      %dma_wait3A_27 = arith.constant 0 : i32
      %dma_wait3A_28 = tpu.memref_slice %arg10[%mul3A_18, %dma_wait3A_27] : memref<10000x128xf32, #tpu.memory_space<vmem_shared>> -> memref<640x128xf32, #tpu.memory_space<vmem_shared>>
      tpu.wait_dma2 semaphore(%run_scoped3A : memref<!tpu.dma_semaphore, #tpu.memory_space<semaphore_mem>>) src(%dma_wait3A_28 : memref<640x128xf32, #tpu.memory_space<vmem_shared>>) dst(%dma_wait3A_26 : memref<640x128xf32, #tpu.memory_space<hbm>>)
      tpu.yield
    }) : () -> ()
    return
  }
}

#map = affine_map<(d0, d1) -> (0)>
#map1 = affine_map<(d0, d1) -> (0, 0, 0)>
module attributes {stable_mosaic.version = 14 : i64} {
  func.func @_deg_kernel(%arg0: i32, %arg1: i32, %arg2: memref<320000xi32, #tpu.memory_space<hbm>>, %arg3: memref<320000xi32, #tpu.memory_space<hbm>>, %arg4: memref<2x32x10000xf32, #tpu.memory_space<hbm>>, %arg5: memref<10000xi32, #tpu.memory_space<vmem>>, %arg6: memref<10000xi32, #tpu.memory_space<vmem>>, %arg7: memref<10000xf32, #tpu.memory_space<vmem>>, %arg8: memref<10000xf32, #tpu.memory_space<vmem>>) attributes {dimension_semantics = [#tpu.dimension_semantics<core_parallel>, #tpu.dimension_semantics<subcore_parallel>], iteration_bounds = array<i64: 2, 16>, scalar_prefetch = 0 : i64, scratch_operands = 4 : i64, tpu.core_type = #tpu.core_type<sc_vector_subcore>, window_params = [{transform_indices = #map}, {transform_indices = #map}, {transform_indices = #map1}]} {
    %mul3A = arith.constant 16 : i32
    %mul3A_0 = arith.muli %arg0, %mul3A : i32
    %add3A = arith.addi %mul3A_0, %arg1 : i32
    %mul3A_1 = arith.constant 10000 : i32
    %mul3A_2 = arith.muli %add3A, %mul3A_1 : i32
    "tpu.region"() ({
      %run_scoped3A_18 = tpu.sem_alloc : memref<!tpu.dma_semaphore, #tpu.memory_space<semaphore_mem>>
      %dma_start3A = tpu.memref_slice %arg2[%mul3A_2] : memref<320000xi32, #tpu.memory_space<hbm>> -> memref<10000xi32, #tpu.memory_space<hbm>>
      %dma_start3A_19 = tpu.memref_slice %arg2[%mul3A_2] : memref<320000xi32, #tpu.memory_space<hbm>> -> memref<10000xi32, #tpu.memory_space<hbm>>
      tpu.enqueue_dma source(%dma_start3A_19 : memref<10000xi32, #tpu.memory_space<hbm>>) target(%arg5 : memref<10000xi32, #tpu.memory_space<vmem>>) target_semaphore(%run_scoped3A_18 : memref<!tpu.dma_semaphore, #tpu.memory_space<semaphore_mem>>)
      %dma_wait3A = tpu.memref_slice %arg2[%mul3A_2] : memref<320000xi32, #tpu.memory_space<hbm>> -> memref<10000xi32, #tpu.memory_space<hbm>>
      %dma_wait3A_20 = tpu.memref_slice %arg2[%mul3A_2] : memref<320000xi32, #tpu.memory_space<hbm>> -> memref<10000xi32, #tpu.memory_space<hbm>>
      tpu.wait_dma2 semaphore(%run_scoped3A_18 : memref<!tpu.dma_semaphore, #tpu.memory_space<semaphore_mem>>) src(%dma_wait3A_20 : memref<10000xi32, #tpu.memory_space<hbm>>) dst(%arg5 : memref<10000xi32, #tpu.memory_space<vmem>>)
      tpu.yield
    }) : () -> ()
    %mul3A_3 = arith.constant 10000 : i32
    %mul3A_4 = arith.muli %add3A, %mul3A_3 : i32
    "tpu.region"() ({
      %run_scoped3A_18 = tpu.sem_alloc : memref<!tpu.dma_semaphore, #tpu.memory_space<semaphore_mem>>
      %dma_start3A = tpu.memref_slice %arg3[%mul3A_4] : memref<320000xi32, #tpu.memory_space<hbm>> -> memref<10000xi32, #tpu.memory_space<hbm>>
      %dma_start3A_19 = tpu.memref_slice %arg3[%mul3A_4] : memref<320000xi32, #tpu.memory_space<hbm>> -> memref<10000xi32, #tpu.memory_space<hbm>>
      tpu.enqueue_dma source(%dma_start3A_19 : memref<10000xi32, #tpu.memory_space<hbm>>) target(%arg6 : memref<10000xi32, #tpu.memory_space<vmem>>) target_semaphore(%run_scoped3A_18 : memref<!tpu.dma_semaphore, #tpu.memory_space<semaphore_mem>>)
      %dma_wait3A = tpu.memref_slice %arg3[%mul3A_4] : memref<320000xi32, #tpu.memory_space<hbm>> -> memref<10000xi32, #tpu.memory_space<hbm>>
      %dma_wait3A_20 = tpu.memref_slice %arg3[%mul3A_4] : memref<320000xi32, #tpu.memory_space<hbm>> -> memref<10000xi32, #tpu.memory_space<hbm>>
      tpu.wait_dma2 semaphore(%run_scoped3A_18 : memref<!tpu.dma_semaphore, #tpu.memory_space<semaphore_mem>>) src(%dma_wait3A_20 : memref<10000xi32, #tpu.memory_space<hbm>>) dst(%arg6 : memref<10000xi32, #tpu.memory_space<vmem>>)
      tpu.yield
    }) : () -> ()
    %broadcast_in_dim3A = arith.constant 0.000000e+00 : f32
    %broadcast_in_dim3A_5 = vector.broadcast %broadcast_in_dim3A : f32 to vector<16xf32>
    %scan3A = arith.constant 0 : i32
    %scan3A_6 = arith.constant 625 : i32
    %scan3A_7 = arith.addi %scan3A, %scan3A_6 : i32
    %scan3A_8 = arith.constant 1 : i32
    scf.for %scan3A_18 = %scan3A to %scan3A_7 step %scan3A_8  : i32 {
      %mul3A_19 = arith.constant 16 : i32
      %mul3A_20 = arith.muli %scan3A_18, %mul3A_19 : i32
      %add3A_21 = arith.constant 0 : i32
      %add3A_22 = arith.addi %add3A_21, %mul3A_20 : i32
      %swap3A = arith.index_cast %add3A_22 : i32 to index
      %swap3A_23 = tpu.vector_load %arg7[%swap3A] {strides = array<i32>} : memref<10000xf32, #tpu.memory_space<vmem>>, vector<16xf32>,
      tpu.vector_store %arg7[%swap3A], %broadcast_in_dim3A_5 {strides = array<i32>} : memref<10000xf32, #tpu.memory_space<vmem>>, vector<16xf32>,
      %swap3A_24 = arith.index_cast %add3A_22 : i32 to index
      %swap3A_25 = tpu.vector_load %arg8[%swap3A_24] {strides = array<i32>} : memref<10000xf32, #tpu.memory_space<vmem>>, vector<16xf32>,
      tpu.vector_store %arg8[%swap3A_24], %broadcast_in_dim3A_5 {strides = array<i32>} : memref<10000xf32, #tpu.memory_space<vmem>>, vector<16xf32>,
    }
    %scan3A_9 = arith.constant 625 : i32
    %broadcast_in_dim3A_10 = arith.constant 1.000000e+00 : f32
    %broadcast_in_dim3A_11 = vector.broadcast %broadcast_in_dim3A_10 : f32 to vector<16xf32>
    %scan3A_12 = arith.constant 0 : i32
    %scan3A_13 = arith.constant 625 : i32
    %scan3A_14 = arith.addi %scan3A_12, %scan3A_13 : i32
    %scan3A_15 = arith.constant 1 : i32
    scf.for %scan3A_18 = %scan3A_12 to %scan3A_14 step %scan3A_15  : i32 {
      %mul3A_19 = arith.constant 16 : i32
      %mul3A_20 = arith.muli %scan3A_18, %mul3A_19 : i32
      %add3A_21 = arith.constant 0 : i32
      %add3A_22 = arith.addi %add3A_21, %mul3A_20 : i32
      %get3A = arith.index_cast %add3A_22 : i32 to index
      %get3A_23 = tpu.vector_load %arg5[%get3A] {strides = array<i32>} : memref<10000xi32, #tpu.memory_space<vmem>>, vector<16xi32>,
      tpu.vector_store_idx %arg7[%get3A_23], %broadcast_in_dim3A_11 {add = true} : memref<10000xf32, #tpu.memory_space<vmem>>[vector<16xi32>], vector<16xf32>,
      %get3A_24 = arith.index_cast %add3A_22 : i32 to index
      %get3A_25 = tpu.vector_load %arg6[%get3A_24] {strides = array<i32>} : memref<10000xi32, #tpu.memory_space<vmem>>, vector<16xi32>,
      tpu.vector_store_idx %arg8[%get3A_25], %broadcast_in_dim3A_11 {add = true} : memref<10000xf32, #tpu.memory_space<vmem>>[vector<16xi32>], vector<16xf32>,
    }
    %scan3A_16 = arith.constant 625 : i32
    %run_scoped3A = arith.constant 0 : i32
    "tpu.region"() ({
      %run_scoped3A_18 = tpu.sem_alloc : memref<!tpu.dma_semaphore, #tpu.memory_space<semaphore_mem>>
      %dma_start3A = arith.constant 0 : i32
      %dma_start3A_19 = tpu.memref_slice %arg4[%run_scoped3A, %add3A, %dma_start3A] : memref<2x32x10000xf32, #tpu.memory_space<hbm>> -> memref<1x1x10000xf32, #tpu.memory_space<hbm>>
      %dma_start3A_20 = tpu.memref_squeeze %dma_start3A_19 : memref<1x1x10000xf32, #tpu.memory_space<hbm>> -> memref<10000xf32, #tpu.memory_space<hbm>>
      %dma_start3A_21 = arith.constant 0 : i32
      %dma_start3A_22 = tpu.memref_slice %arg4[%run_scoped3A, %add3A, %dma_start3A_21] : memref<2x32x10000xf32, #tpu.memory_space<hbm>> -> memref<1x1x10000xf32, #tpu.memory_space<hbm>>
      %dma_start3A_23 = tpu.memref_squeeze %dma_start3A_22 : memref<1x1x10000xf32, #tpu.memory_space<hbm>> -> memref<10000xf32, #tpu.memory_space<hbm>>
      tpu.enqueue_dma source(%arg7 : memref<10000xf32, #tpu.memory_space<vmem>>) target(%dma_start3A_23 : memref<10000xf32, #tpu.memory_space<hbm>>) target_semaphore(%run_scoped3A_18 : memref<!tpu.dma_semaphore, #tpu.memory_space<semaphore_mem>>)
      %dma_wait3A = arith.constant 0 : i32
      %dma_wait3A_24 = tpu.memref_slice %arg4[%run_scoped3A, %add3A, %dma_wait3A] : memref<2x32x10000xf32, #tpu.memory_space<hbm>> -> memref<1x1x10000xf32, #tpu.memory_space<hbm>>
      %dma_wait3A_25 = tpu.memref_squeeze %dma_wait3A_24 : memref<1x1x10000xf32, #tpu.memory_space<hbm>> -> memref<10000xf32, #tpu.memory_space<hbm>>
      %dma_wait3A_26 = arith.constant 0 : i32
      %dma_wait3A_27 = tpu.memref_slice %arg4[%run_scoped3A, %add3A, %dma_wait3A_26] : memref<2x32x10000xf32, #tpu.memory_space<hbm>> -> memref<1x1x10000xf32, #tpu.memory_space<hbm>>
      %dma_wait3A_28 = tpu.memref_squeeze %dma_wait3A_27 : memref<1x1x10000xf32, #tpu.memory_space<hbm>> -> memref<10000xf32, #tpu.memory_space<hbm>>
      tpu.wait_dma2 semaphore(%run_scoped3A_18 : memref<!tpu.dma_semaphore, #tpu.memory_space<semaphore_mem>>) src(%arg7 : memref<10000xf32, #tpu.memory_space<vmem>>) dst(%dma_wait3A_28 : memref<10000xf32, #tpu.memory_space<hbm>>)
      tpu.yield
    }) : () -> ()
    %run_scoped3A_17 = arith.constant 1 : i32
    "tpu.region"() ({
      %run_scoped3A_18 = tpu.sem_alloc : memref<!tpu.dma_semaphore, #tpu.memory_space<semaphore_mem>>
      %dma_start3A = arith.constant 0 : i32
      %dma_start3A_19 = tpu.memref_slice %arg4[%run_scoped3A_17, %add3A, %dma_start3A] : memref<2x32x10000xf32, #tpu.memory_space<hbm>> -> memref<1x1x10000xf32, #tpu.memory_space<hbm>>
      %dma_start3A_20 = tpu.memref_squeeze %dma_start3A_19 : memref<1x1x10000xf32, #tpu.memory_space<hbm>> -> memref<10000xf32, #tpu.memory_space<hbm>>
      %dma_start3A_21 = arith.constant 0 : i32
      %dma_start3A_22 = tpu.memref_slice %arg4[%run_scoped3A_17, %add3A, %dma_start3A_21] : memref<2x32x10000xf32, #tpu.memory_space<hbm>> -> memref<1x1x10000xf32, #tpu.memory_space<hbm>>
      %dma_start3A_23 = tpu.memref_squeeze %dma_start3A_22 : memref<1x1x10000xf32, #tpu.memory_space<hbm>> -> memref<10000xf32, #tpu.memory_space<hbm>>
      tpu.enqueue_dma source(%arg8 : memref<10000xf32, #tpu.memory_space<vmem>>) target(%dma_start3A_23 : memref<10000xf32, #tpu.memory_space<hbm>>) target_semaphore(%run_scoped3A_18 : memref<!tpu.dma_semaphore, #tpu.memory_space<semaphore_mem>>)
      %dma_wait3A = arith.constant 0 : i32
      %dma_wait3A_24 = tpu.memref_slice %arg4[%run_scoped3A_17, %add3A, %dma_wait3A] : memref<2x32x10000xf32, #tpu.memory_space<hbm>> -> memref<1x1x10000xf32, #tpu.memory_space<hbm>>
      %dma_wait3A_25 = tpu.memref_squeeze %dma_wait3A_24 : memref<1x1x10000xf32, #tpu.memory_space<hbm>> -> memref<10000xf32, #tpu.memory_space<hbm>>
      %dma_wait3A_26 = arith.constant 0 : i32
      %dma_wait3A_27 = tpu.memref_slice %arg4[%run_scoped3A_17, %add3A, %dma_wait3A_26] : memref<2x32x10000xf32, #tpu.memory_space<hbm>> -> memref<1x1x10000xf32, #tpu.memory_space<hbm>>
      %dma_wait3A_28 = tpu.memref_squeeze %dma_wait3A_27 : memref<1x1x10000xf32, #tpu.memory_space<hbm>> -> memref<10000xf32, #tpu.memory_space<hbm>>
      tpu.wait_dma2 semaphore(%run_scoped3A_18 : memref<!tpu.dma_semaphore, #tpu.memory_space<semaphore_mem>>) src(%arg8 : memref<10000xf32, #tpu.memory_space<vmem>>) dst(%dma_wait3A_28 : memref<10000xf32, #tpu.memory_space<hbm>>)
      tpu.yield
    }) : () -> ()
    return
  }
}

#map = affine_map<(d0, d1) -> (0, 0)>
#map1 = affine_map<(d0, d1) -> (0, 0, 0)>
module attributes {stable_mosaic.version = 14 : i64} {
  func.func @_agg_kernel(%arg0: i32, %arg1: i32, %arg2: memref<10000x128xf32, #tpu.memory_space<hbm>>, %arg3: memref<32x80x125xi32, #tpu.memory_space<hbm>>, %arg4: memref<32x80x125xi32, #tpu.memory_space<hbm>>, %arg5: memref<2x10000x128xf32, #tpu.memory_space<hbm>>, %arg6: memref<40x125xi32, #tpu.memory_space<vmem>>, %arg7: memref<40x125xi32, #tpu.memory_space<vmem>>, %arg8: memref<125x128xf32, #tpu.memory_space<vmem>>, %arg9: memref<125x128xf32, #tpu.memory_space<vmem>>, %arg10: memref<10000x128xf32, #tpu.memory_space<vmem_shared>>, %arg11: memref<!tpu.dma_semaphore, #tpu.memory_space<semaphore_mem>>, %arg12: memref<!tpu.dma_semaphore, #tpu.memory_space<semaphore_mem>>) attributes {dimension_semantics = [#tpu.dimension_semantics<core_parallel>, #tpu.dimension_semantics<subcore_parallel>], iteration_bounds = array<i64: 2, 16>, scalar_prefetch = 0 : i64, scratch_operands = 7 : i64, tpu.core_type = #tpu.core_type<sc_vector_subcore>, window_params = [{transform_indices = #map}, {transform_indices = #map1}, {transform_indices = #map1}, {transform_indices = #map1}]} {
    %mul3A = arith.constant 16 : i32
    %mul3A_0 = arith.muli %arg0, %mul3A : i32
    %add3A = arith.addi %mul3A_0, %arg1 : i32
    %broadcast_in_dim3A = arith.constant 0.000000e+00 : f32
    %broadcast_in_dim3A_1 = vector.broadcast %broadcast_in_dim3A : f32 to vector<16xf32>
    %scan3A = arith.constant 0 : i32
    %scan3A_2 = arith.constant 125 : i32
    %scan3A_3 = arith.addi %scan3A, %scan3A_2 : i32
    %scan3A_4 = arith.constant 1 : i32
    scf.for %scan3A_21 = %scan3A to %scan3A_3 step %scan3A_4  : i32 {
      %mul3A_22 = arith.constant 1 : i32
      %mul3A_23 = arith.muli %scan3A_21, %mul3A_22 : i32
      %add3A_24 = arith.constant 0 : i32
      %add3A_25 = arith.addi %add3A_24, %mul3A_23 : i32
      %scan3A_26 = arith.constant 0 : i32
      %scan3A_27 = arith.constant 8 : i32
      %scan3A_28 = arith.addi %scan3A_26, %scan3A_27 : i32
      %scan3A_29 = arith.constant 1 : i32
      scf.for %scan3A_31 = %scan3A_26 to %scan3A_28 step %scan3A_29  : i32 {
        %mul3A_32 = arith.constant 16 : i32
        %mul3A_33 = arith.muli %scan3A_31, %mul3A_32 : i32
        %add3A_34 = arith.constant 0 : i32
        %add3A_35 = arith.addi %add3A_34, %mul3A_33 : i32
        %swap3A = arith.index_cast %add3A_25 : i32 to index
        %swap3A_36 = arith.index_cast %add3A_35 : i32 to index
        %swap3A_37 = tpu.vector_load %arg8[%swap3A, %swap3A_36] {strides = array<i32>} : memref<125x128xf32, #tpu.memory_space<vmem>>, vector<16xf32>,
        tpu.vector_store %arg8[%swap3A, %swap3A_36], %broadcast_in_dim3A_1 {strides = array<i32>} : memref<125x128xf32, #tpu.memory_space<vmem>>, vector<16xf32>,
      }
      %scan3A_30 = arith.constant 8 : i32
    }
    %scan3A_5 = arith.constant 125 : i32
    %scan3A_6 = arith.constant 0 : i32
    %scan3A_7 = arith.constant 10 : i32
    %scan3A_8 = arith.addi %scan3A_6, %scan3A_7 : i32
    %scan3A_9 = arith.constant 1 : i32
    scf.for %scan3A_21 = %scan3A_6 to %scan3A_8 step %scan3A_9  : i32 {
      %mul3A_22 = arith.constant 64 : i32
      %mul3A_23 = arith.muli %scan3A_21, %mul3A_22 : i32
      %add3A_24 = arith.constant 0 : i32
      %add3A_25 = arith.addi %add3A_24, %mul3A_23 : i32
      %mul3A_26 = arith.constant 624 : i32
      %mul3A_27 = arith.muli %arg1, %mul3A_26 : i32
      %add3A_28 = arith.addi %mul3A_27, %add3A_25 : i32
      "tpu.region"() ({
        %run_scoped3A = tpu.sem_alloc : memref<!tpu.dma_semaphore, #tpu.memory_space<semaphore_mem>>
        %dma_start3A = arith.constant 0 : i32
        %dma_start3A_29 = arith.constant 0 : i32
        %dma_start3A_30 = tpu.memref_slice %arg8[%dma_start3A, %dma_start3A_29] : memref<125x128xf32, #tpu.memory_space<vmem>> -> memref<64x128xf32, #tpu.memory_space<vmem>>
        %dma_start3A_31 = arith.constant 0 : i32
        %dma_start3A_32 = tpu.memref_slice %arg10[%add3A_28, %dma_start3A_31] : memref<10000x128xf32, #tpu.memory_space<vmem_shared>> -> memref<64x128xf32, #tpu.memory_space<vmem_shared>>
        %dma_start3A_33 = arith.constant 0 : i32
        %dma_start3A_34 = tpu.memref_slice %arg10[%add3A_28, %dma_start3A_33] : memref<10000x128xf32, #tpu.memory_space<vmem_shared>> -> memref<64x128xf32, #tpu.memory_space<vmem_shared>>
        %dma_start3A_35 = arith.constant 0 : i32
        %dma_start3A_36 = arith.constant 0 : i32
        %dma_start3A_37 = tpu.memref_slice %arg8[%dma_start3A_35, %dma_start3A_36] : memref<125x128xf32, #tpu.memory_space<vmem>> -> memref<64x128xf32, #tpu.memory_space<vmem>>
        tpu.enqueue_dma source(%dma_start3A_37 : memref<64x128xf32, #tpu.memory_space<vmem>>) target(%dma_start3A_34 : memref<64x128xf32, #tpu.memory_space<vmem_shared>>) target_semaphore(%run_scoped3A : memref<!tpu.dma_semaphore, #tpu.memory_space<semaphore_mem>>)
        %dma_wait3A = arith.constant 0 : i32
        %dma_wait3A_38 = arith.constant 0 : i32
        %dma_wait3A_39 = tpu.memref_slice %arg8[%dma_wait3A, %dma_wait3A_38] : memref<125x128xf32, #tpu.memory_space<vmem>> -> memref<64x128xf32, #tpu.memory_space<vmem>>
        %dma_wait3A_40 = arith.constant 0 : i32
        %dma_wait3A_41 = tpu.memref_slice %arg10[%add3A_28, %dma_wait3A_40] : memref<10000x128xf32, #tpu.memory_space<vmem_shared>> -> memref<64x128xf32, #tpu.memory_space<vmem_shared>>
        %dma_wait3A_42 = arith.constant 0 : i32
        %dma_wait3A_43 = tpu.memref_slice %arg10[%add3A_28, %dma_wait3A_42] : memref<10000x128xf32, #tpu.memory_space<vmem_shared>> -> memref<64x128xf32, #tpu.memory_space<vmem_shared>>
        %dma_wait3A_44 = arith.constant 0 : i32
        %dma_wait3A_45 = arith.constant 0 : i32
        %dma_wait3A_46 = tpu.memref_slice %arg8[%dma_wait3A_44, %dma_wait3A_45] : memref<125x128xf32, #tpu.memory_space<vmem>> -> memref<64x128xf32, #tpu.memory_space<vmem>>
        tpu.wait_dma2 semaphore(%run_scoped3A : memref<!tpu.dma_semaphore, #tpu.memory_space<semaphore_mem>>) src(%dma_wait3A_46 : memref<64x128xf32, #tpu.memory_space<vmem>>) dst(%dma_wait3A_43 : memref<64x128xf32, #tpu.memory_space<vmem_shared>>)
        tpu.yield
      }) : () -> ()
    }
    %scan3A_10 = arith.constant 10 : i32
    %barrier3A = arith.constant 0 : index
    tpu.barrier barrier_id(%barrier3A)
    %scan3A_11 = arith.constant 0 : i32
    %scan3A_12 = arith.constant 2 : i32
    %scan3A_13 = arith.addi %scan3A_11, %scan3A_12 : i32
    %scan3A_14 = arith.constant 1 : i32
    scf.for %scan3A_21 = %scan3A_11 to %scan3A_13 step %scan3A_14  : i32 {
      %mul3A_22 = arith.constant 1 : i32
      %mul3A_23 = arith.muli %scan3A_21, %mul3A_22 : i32
      %add3A_24 = arith.constant 0 : i32
      %add3A_25 = arith.addi %add3A_24, %mul3A_23 : i32
      %mul3A_26 = arith.constant 40 : i32
      %mul3A_27 = arith.muli %add3A_25, %mul3A_26 : i32
      "tpu.region"() ({
        %run_scoped3A_62 = tpu.sem_alloc : memref<!tpu.dma_semaphore, #tpu.memory_space<semaphore_mem>>
        %dma_start3A_63 = arith.constant 0 : i32
        %dma_start3A_64 = tpu.memref_slice %arg3[%add3A, %mul3A_27, %dma_start3A_63] : memref<32x80x125xi32, #tpu.memory_space<hbm>> -> memref<1x40x125xi32, #tpu.memory_space<hbm>>
        %dma_start3A_65 = tpu.memref_squeeze %dma_start3A_64 : memref<1x40x125xi32, #tpu.memory_space<hbm>> -> memref<40x125xi32, #tpu.memory_space<hbm>>
        %dma_start3A_66 = arith.constant 0 : i32
        %dma_start3A_67 = tpu.memref_slice %arg3[%add3A, %mul3A_27, %dma_start3A_66] : memref<32x80x125xi32, #tpu.memory_space<hbm>> -> memref<1x40x125xi32, #tpu.memory_space<hbm>>
        %dma_start3A_68 = tpu.memref_squeeze %dma_start3A_67 : memref<1x40x125xi32, #tpu.memory_space<hbm>> -> memref<40x125xi32, #tpu.memory_space<hbm>>
        tpu.enqueue_dma source(%dma_start3A_68 : memref<40x125xi32, #tpu.memory_space<hbm>>) target(%arg6 : memref<40x125xi32, #tpu.memory_space<vmem>>) target_semaphore(%run_scoped3A_62 : memref<!tpu.dma_semaphore, #tpu.memory_space<semaphore_mem>>)
        %dma_wait3A_69 = arith.constant 0 : i32
        %dma_wait3A_70 = tpu.memref_slice %arg3[%add3A, %mul3A_27, %dma_wait3A_69] : memref<32x80x125xi32, #tpu.memory_space<hbm>> -> memref<1x40x125xi32, #tpu.memory_space<hbm>>
        %dma_wait3A_71 = tpu.memref_squeeze %dma_wait3A_70 : memref<1x40x125xi32, #tpu.memory_space<hbm>> -> memref<40x125xi32, #tpu.memory_space<hbm>>
        %dma_wait3A_72 = arith.constant 0 : i32
        %dma_wait3A_73 = tpu.memref_slice %arg3[%add3A, %mul3A_27, %dma_wait3A_72] : memref<32x80x125xi32, #tpu.memory_space<hbm>> -> memref<1x40x125xi32, #tpu.memory_space<hbm>>
        %dma_wait3A_74 = tpu.memref_squeeze %dma_wait3A_73 : memref<1x40x125xi32, #tpu.memory_space<hbm>> -> memref<40x125xi32, #tpu.memory_space<hbm>>
        tpu.wait_dma2 semaphore(%run_scoped3A_62 : memref<!tpu.dma_semaphore, #tpu.memory_space<semaphore_mem>>) src(%dma_wait3A_74 : memref<40x125xi32, #tpu.memory_space<hbm>>) dst(%arg6 : memref<40x125xi32, #tpu.memory_space<vmem>>)
        tpu.yield
      }) : () -> ()
      %mul3A_28 = arith.constant 40 : i32
      %mul3A_29 = arith.muli %add3A_25, %mul3A_28 : i32
      "tpu.region"() ({
        %run_scoped3A_62 = tpu.sem_alloc : memref<!tpu.dma_semaphore, #tpu.memory_space<semaphore_mem>>
        %dma_start3A_63 = arith.constant 0 : i32
        %dma_start3A_64 = tpu.memref_slice %arg4[%add3A, %mul3A_29, %dma_start3A_63] : memref<32x80x125xi32, #tpu.memory_space<hbm>> -> memref<1x40x125xi32, #tpu.memory_space<hbm>>
        %dma_start3A_65 = tpu.memref_squeeze %dma_start3A_64 : memref<1x40x125xi32, #tpu.memory_space<hbm>> -> memref<40x125xi32, #tpu.memory_space<hbm>>
        %dma_start3A_66 = arith.constant 0 : i32
        %dma_start3A_67 = tpu.memref_slice %arg4[%add3A, %mul3A_29, %dma_start3A_66] : memref<32x80x125xi32, #tpu.memory_space<hbm>> -> memref<1x40x125xi32, #tpu.memory_space<hbm>>
        %dma_start3A_68 = tpu.memref_squeeze %dma_start3A_67 : memref<1x40x125xi32, #tpu.memory_space<hbm>> -> memref<40x125xi32, #tpu.memory_space<hbm>>
        tpu.enqueue_dma source(%dma_start3A_68 : memref<40x125xi32, #tpu.memory_space<hbm>>) target(%arg7 : memref<40x125xi32, #tpu.memory_space<vmem>>) target_semaphore(%run_scoped3A_62 : memref<!tpu.dma_semaphore, #tpu.memory_space<semaphore_mem>>)
        %dma_wait3A_69 = arith.constant 0 : i32
        %dma_wait3A_70 = tpu.memref_slice %arg4[%add3A, %mul3A_29, %dma_wait3A_69] : memref<32x80x125xi32, #tpu.memory_space<hbm>> -> memref<1x40x125xi32, #tpu.memory_space<hbm>>
        %dma_wait3A_71 = tpu.memref_squeeze %dma_wait3A_70 : memref<1x40x125xi32, #tpu.memory_space<hbm>> -> memref<40x125xi32, #tpu.memory_space<hbm>>
        %dma_wait3A_72 = arith.constant 0 : i32
        %dma_wait3A_73 = tpu.memref_slice %arg4[%add3A, %mul3A_29, %dma_wait3A_72] : memref<32x80x125xi32, #tpu.memory_space<hbm>> -> memref<1x40x125xi32, #tpu.memory_space<hbm>>
        %dma_wait3A_74 = tpu.memref_squeeze %dma_wait3A_73 : memref<1x40x125xi32, #tpu.memory_space<hbm>> -> memref<40x125xi32, #tpu.memory_space<hbm>>
        tpu.wait_dma2 semaphore(%run_scoped3A_62 : memref<!tpu.dma_semaphore, #tpu.memory_space<semaphore_mem>>) src(%dma_wait3A_74 : memref<40x125xi32, #tpu.memory_space<hbm>>) dst(%arg7 : memref<40x125xi32, #tpu.memory_space<vmem>>)
        tpu.yield
      }) : () -> ()
      %dma_start3A = arith.constant 0 : i32
      %dma_start3A_30 = arith.constant 0 : i32
      %dma_start3A_31 = tpu.memref_slice %arg7[%dma_start3A, %dma_start3A_30] : memref<40x125xi32, #tpu.memory_space<vmem>> -> memref<1x125xi32, #tpu.memory_space<vmem>>
      %dma_start3A_32 = tpu.memref_squeeze %dma_start3A_31 : memref<1x125xi32, #tpu.memory_space<vmem>> -> memref<125xi32, #tpu.memory_space<vmem>>
      %dma_start3A_33 = arith.constant 0 : i32
      %dma_start3A_34 = arith.constant 0 : i32
      %dma_start3A_35 = tpu.memref_slice %arg2[%dma_start3A_33, %dma_start3A_34] : memref<10000x128xf32, #tpu.memory_space<hbm>> -> memref<10000x128xf32, #tpu.memory_space<hbm>>
      tpu.enqueue_indirect_dma source(%dma_start3A_35 : memref<10000x128xf32, #tpu.memory_space<hbm>>) target(%arg8 : memref<125x128xf32, #tpu.memory_space<vmem>>) offsets(%dma_start3A_32 : memref<125xi32, #tpu.memory_space<vmem>>) semaphore(%arg11 : memref<!tpu.dma_semaphore, #tpu.memory_space<semaphore_mem>>)
      %scan3A_36 = arith.constant 0 : i32
      %scan3A_37 = arith.constant 19 : i32
      %scan3A_38 = arith.addi %scan3A_36, %scan3A_37 : i32
      %scan3A_39 = arith.constant 1 : i32
      scf.for %scan3A_62 = %scan3A_36 to %scan3A_38 step %scan3A_39  : i32 {
        %mul3A_63 = arith.constant 2 : i32
        %mul3A_64 = arith.muli %scan3A_62, %mul3A_63 : i32
        %add3A_65 = arith.constant 0 : i32
        %add3A_66 = arith.addi %add3A_65, %mul3A_64 : i32
        %add3A_67 = arith.constant 1 : i32
        %add3A_68 = arith.addi %add3A_66, %add3A_67 : i32
        %dma_start3A_69 = arith.constant 0 : i32
        %dma_start3A_70 = tpu.memref_slice %arg7[%add3A_68, %dma_start3A_69] : memref<40x125xi32, #tpu.memory_space<vmem>> -> memref<1x125xi32, #tpu.memory_space<vmem>>
        %dma_start3A_71 = tpu.memref_squeeze %dma_start3A_70 : memref<1x125xi32, #tpu.memory_space<vmem>> -> memref<125xi32, #tpu.memory_space<vmem>>
        %dma_start3A_72 = arith.constant 0 : i32
        %dma_start3A_73 = arith.constant 0 : i32
        %dma_start3A_74 = tpu.memref_slice %arg2[%dma_start3A_72, %dma_start3A_73] : memref<10000x128xf32, #tpu.memory_space<hbm>> -> memref<10000x128xf32, #tpu.memory_space<hbm>>
        tpu.enqueue_indirect_dma source(%dma_start3A_74 : memref<10000x128xf32, #tpu.memory_space<hbm>>) target(%arg9 : memref<125x128xf32, #tpu.memory_space<vmem>>) offsets(%dma_start3A_71 : memref<125xi32, #tpu.memory_space<vmem>>) semaphore(%arg12 : memref<!tpu.dma_semaphore, #tpu.memory_space<semaphore_mem>>)
        %dma_wait3A_75 = arith.constant 0 : i32
        %dma_wait3A_76 = tpu.memref_slice %arg7[%add3A_66, %dma_wait3A_75] : memref<40x125xi32, #tpu.memory_space<vmem>> -> memref<1x125xi32, #tpu.memory_space<vmem>>
        %dma_wait3A_77 = tpu.memref_squeeze %dma_wait3A_76 : memref<1x125xi32, #tpu.memory_space<vmem>> -> memref<125xi32, #tpu.memory_space<vmem>>
        %dma_wait3A_78 = arith.constant 0 : i32
        %dma_wait3A_79 = arith.constant 0 : i32
        %dma_wait3A_80 = tpu.memref_slice %arg2[%dma_wait3A_78, %dma_wait3A_79] : memref<10000x128xf32, #tpu.memory_space<hbm>> -> memref<10000x128xf32, #tpu.memory_space<hbm>>
        tpu.wait_indirect_dma semaphore(%arg11 : memref<!tpu.dma_semaphore, #tpu.memory_space<semaphore_mem>>) src(%dma_wait3A_80 : memref<10000x128xf32, #tpu.memory_space<hbm>>) dst(%arg8 : memref<125x128xf32, #tpu.memory_space<vmem>>)
        "tpu.region"() ({
          %run_scoped3A_99 = tpu.sem_alloc : memref<!tpu.dma_semaphore, #tpu.memory_space<semaphore_mem>>
          %dma_start3A_100 = arith.constant 0 : i32
          %dma_start3A_101 = tpu.memref_slice %arg6[%add3A_66, %dma_start3A_100] : memref<40x125xi32, #tpu.memory_space<vmem>> -> memref<1x125xi32, #tpu.memory_space<vmem>>
          %dma_start3A_102 = tpu.memref_squeeze %dma_start3A_101 : memref<1x125xi32, #tpu.memory_space<vmem>> -> memref<125xi32, #tpu.memory_space<vmem>>
          %dma_start3A_103 = arith.constant 0 : i32
          %dma_start3A_104 = arith.constant 0 : i32
          %dma_start3A_105 = tpu.memref_slice %arg10[%dma_start3A_103, %dma_start3A_104] : memref<10000x128xf32, #tpu.memory_space<vmem_shared>> -> memref<10000x128xf32, #tpu.memory_space<vmem_shared>>
          tpu.enqueue_indirect_dma source(%arg8 : memref<125x128xf32, #tpu.memory_space<vmem>>) target(%dma_start3A_105 : memref<10000x128xf32, #tpu.memory_space<vmem_shared>>) offsets(%dma_start3A_102 : memref<125xi32, #tpu.memory_space<vmem>>) semaphore(%run_scoped3A_99 : memref<!tpu.dma_semaphore, #tpu.memory_space<semaphore_mem>>) {add = true}
          %dma_wait3A_106 = arith.constant 0 : i32
          %dma_wait3A_107 = tpu.memref_slice %arg6[%add3A_66, %dma_wait3A_106] : memref<40x125xi32, #tpu.memory_space<vmem>> -> memref<1x125xi32, #tpu.memory_space<vmem>>
          %dma_wait3A_108 = tpu.memref_squeeze %dma_wait3A_107 : memref<1x125xi32, #tpu.memory_space<vmem>> -> memref<125xi32, #tpu.memory_space<vmem>>
          %dma_wait3A_109 = arith.constant 0 : i32
          %dma_wait3A_110 = arith.constant 0 : i32
          %dma_wait3A_111 = tpu.memref_slice %arg10[%dma_wait3A_109, %dma_wait3A_110] : memref<10000x128xf32, #tpu.memory_space<vmem_shared>> -> memref<10000x128xf32, #tpu.memory_space<vmem_shared>>
          tpu.wait_indirect_dma semaphore(%run_scoped3A_99 : memref<!tpu.dma_semaphore, #tpu.memory_space<semaphore_mem>>) src(%arg8 : memref<125x128xf32, #tpu.memory_space<vmem>>) dst(%dma_wait3A_111 : memref<10000x128xf32, #tpu.memory_space<vmem_shared>>)
          tpu.yield
        }) : () -> ()
        %add3A_81 = arith.constant 2 : i32
        %add3A_82 = arith.addi %add3A_66, %add3A_81 : i32
        %dma_start3A_83 = arith.constant 0 : i32
        %dma_start3A_84 = tpu.memref_slice %arg7[%add3A_82, %dma_start3A_83] : memref<40x125xi32, #tpu.memory_space<vmem>> -> memref<1x125xi32, #tpu.memory_space<vmem>>
        %dma_start3A_85 = tpu.memref_squeeze %dma_start3A_84 : memref<1x125xi32, #tpu.memory_space<vmem>> -> memref<125xi32, #tpu.memory_space<vmem>>
        %dma_start3A_86 = arith.constant 0 : i32
        %dma_start3A_87 = arith.constant 0 : i32
        %dma_start3A_88 = tpu.memref_slice %arg2[%dma_start3A_86, %dma_start3A_87] : memref<10000x128xf32, #tpu.memory_space<hbm>> -> memref<10000x128xf32, #tpu.memory_space<hbm>>
        tpu.enqueue_indirect_dma source(%dma_start3A_88 : memref<10000x128xf32, #tpu.memory_space<hbm>>) target(%arg8 : memref<125x128xf32, #tpu.memory_space<vmem>>) offsets(%dma_start3A_85 : memref<125xi32, #tpu.memory_space<vmem>>) semaphore(%arg11 : memref<!tpu.dma_semaphore, #tpu.memory_space<semaphore_mem>>)
        %add3A_89 = arith.constant 1 : i32
        %add3A_90 = arith.addi %add3A_66, %add3A_89 : i32
        %dma_wait3A_91 = arith.constant 0 : i32
        %dma_wait3A_92 = tpu.memref_slice %arg7[%add3A_90, %dma_wait3A_91] : memref<40x125xi32, #tpu.memory_space<vmem>> -> memref<1x125xi32, #tpu.memory_space<vmem>>
        %dma_wait3A_93 = tpu.memref_squeeze %dma_wait3A_92 : memref<1x125xi32, #tpu.memory_space<vmem>> -> memref<125xi32, #tpu.memory_space<vmem>>
        %dma_wait3A_94 = arith.constant 0 : i32
        %dma_wait3A_95 = arith.constant 0 : i32
        %dma_wait3A_96 = tpu.memref_slice %arg2[%dma_wait3A_94, %dma_wait3A_95] : memref<10000x128xf32, #tpu.memory_space<hbm>> -> memref<10000x128xf32, #tpu.memory_space<hbm>>
        tpu.wait_indirect_dma semaphore(%arg12 : memref<!tpu.dma_semaphore, #tpu.memory_space<semaphore_mem>>) src(%dma_wait3A_96 : memref<10000x128xf32, #tpu.memory_space<hbm>>) dst(%arg9 : memref<125x128xf32, #tpu.memory_space<vmem>>)
        %add3A_97 = arith.constant 1 : i32
        %add3A_98 = arith.addi %add3A_66, %add3A_97 : i32
        "tpu.region"() ({
          %run_scoped3A_99 = tpu.sem_alloc : memref<!tpu.dma_semaphore, #tpu.memory_space<semaphore_mem>>
          %dma_start3A_100 = arith.constant 0 : i32
          %dma_start3A_101 = tpu.memref_slice %arg6[%add3A_98, %dma_start3A_100] : memref<40x125xi32, #tpu.memory_space<vmem>> -> memref<1x125xi32, #tpu.memory_space<vmem>>
          %dma_start3A_102 = tpu.memref_squeeze %dma_start3A_101 : memref<1x125xi32, #tpu.memory_space<vmem>> -> memref<125xi32, #tpu.memory_space<vmem>>
          %dma_start3A_103 = arith.constant 0 : i32
          %dma_start3A_104 = arith.constant 0 : i32
          %dma_start3A_105 = tpu.memref_slice %arg10[%dma_start3A_103, %dma_start3A_104] : memref<10000x128xf32, #tpu.memory_space<vmem_shared>> -> memref<10000x128xf32, #tpu.memory_space<vmem_shared>>
          tpu.enqueue_indirect_dma source(%arg9 : memref<125x128xf32, #tpu.memory_space<vmem>>) target(%dma_start3A_105 : memref<10000x128xf32, #tpu.memory_space<vmem_shared>>) offsets(%dma_start3A_102 : memref<125xi32, #tpu.memory_space<vmem>>) semaphore(%run_scoped3A_99 : memref<!tpu.dma_semaphore, #tpu.memory_space<semaphore_mem>>) {add = true}
          %dma_wait3A_106 = arith.constant 0 : i32
          %dma_wait3A_107 = tpu.memref_slice %arg6[%add3A_98, %dma_wait3A_106] : memref<40x125xi32, #tpu.memory_space<vmem>> -> memref<1x125xi32, #tpu.memory_space<vmem>>
          %dma_wait3A_108 = tpu.memref_squeeze %dma_wait3A_107 : memref<1x125xi32, #tpu.memory_space<vmem>> -> memref<125xi32, #tpu.memory_space<vmem>>
          %dma_wait3A_109 = arith.constant 0 : i32
          %dma_wait3A_110 = arith.constant 0 : i32
          %dma_wait3A_111 = tpu.memref_slice %arg10[%dma_wait3A_109, %dma_wait3A_110] : memref<10000x128xf32, #tpu.memory_space<vmem_shared>> -> memref<10000x128xf32, #tpu.memory_space<vmem_shared>>
          tpu.wait_indirect_dma semaphore(%run_scoped3A_99 : memref<!tpu.dma_semaphore, #tpu.memory_space<semaphore_mem>>) src(%arg9 : memref<125x128xf32, #tpu.memory_space<vmem>>) dst(%dma_wait3A_111 : memref<10000x128xf32, #tpu.memory_space<vmem_shared>>)
          tpu.yield
        }) : () -> ()
      }
      %scan3A_40 = arith.constant 19 : i32
      %dma_start3A_41 = arith.constant 39 : i32
      %dma_start3A_42 = arith.constant 0 : i32
      %dma_start3A_43 = tpu.memref_slice %arg7[%dma_start3A_41, %dma_start3A_42] : memref<40x125xi32, #tpu.memory_space<vmem>> -> memref<1x125xi32, #tpu.memory_space<vmem>>
      %dma_start3A_44 = tpu.memref_squeeze %dma_start3A_43 : memref<1x125xi32, #tpu.memory_space<vmem>> -> memref<125xi32, #tpu.memory_space<vmem>>
      %dma_start3A_45 = arith.constant 0 : i32
      %dma_start3A_46 = arith.constant 0 : i32
      %dma_start3A_47 = tpu.memref_slice %arg2[%dma_start3A_45, %dma_start3A_46] : memref<10000x128xf32, #tpu.memory_space<hbm>> -> memref<10000x128xf32, #tpu.memory_space<hbm>>
      tpu.enqueue_indirect_dma source(%dma_start3A_47 : memref<10000x128xf32, #tpu.memory_space<hbm>>) target(%arg9 : memref<125x128xf32, #tpu.memory_space<vmem>>) offsets(%dma_start3A_44 : memref<125xi32, #tpu.memory_space<vmem>>) semaphore(%arg12 : memref<!tpu.dma_semaphore, #tpu.memory_space<semaphore_mem>>)
      %dma_wait3A = arith.constant 38 : i32
      %dma_wait3A_48 = arith.constant 0 : i32
      %dma_wait3A_49 = tpu.memref_slice %arg7[%dma_wait3A, %dma_wait3A_48] : memref<40x125xi32, #tpu.memory_space<vmem>> -> memref<1x125xi32, #tpu.memory_space<vmem>>
      %dma_wait3A_50 = tpu.memref_squeeze %dma_wait3A_49 : memref<1x125xi32, #tpu.memory_space<vmem>> -> memref<125xi32, #tpu.memory_space<vmem>>
      %dma_wait3A_51 = arith.constant 0 : i32
      %dma_wait3A_52 = arith.constant 0 : i32
      %dma_wait3A_53 = tpu.memref_slice %arg2[%dma_wait3A_51, %dma_wait3A_52] : memref<10000x128xf32, #tpu.memory_space<hbm>> -> memref<10000x128xf32, #tpu.memory_space<hbm>>
      tpu.wait_indirect_dma semaphore(%arg11 : memref<!tpu.dma_semaphore, #tpu.memory_space<semaphore_mem>>) src(%dma_wait3A_53 : memref<10000x128xf32, #tpu.memory_space<hbm>>) dst(%arg8 : memref<125x128xf32, #tpu.memory_space<vmem>>)
      %run_scoped3A = arith.constant 38 : i32
      "tpu.region"() ({
        %run_scoped3A_62 = tpu.sem_alloc : memref<!tpu.dma_semaphore, #tpu.memory_space<semaphore_mem>>
        %dma_start3A_63 = arith.constant 0 : i32
        %dma_start3A_64 = tpu.memref_slice %arg6[%run_scoped3A, %dma_start3A_63] : memref<40x125xi32, #tpu.memory_space<vmem>> -> memref<1x125xi32, #tpu.memory_space<vmem>>
        %dma_start3A_65 = tpu.memref_squeeze %dma_start3A_64 : memref<1x125xi32, #tpu.memory_space<vmem>> -> memref<125xi32, #tpu.memory_space<vmem>>
        %dma_start3A_66 = arith.constant 0 : i32
        %dma_start3A_67 = arith.constant 0 : i32
        %dma_start3A_68 = tpu.memref_slice %arg10[%dma_start3A_66, %dma_start3A_67] : memref<10000x128xf32, #tpu.memory_space<vmem_shared>> -> memref<10000x128xf32, #tpu.memory_space<vmem_shared>>
        tpu.enqueue_indirect_dma source(%arg8 : memref<125x128xf32, #tpu.memory_space<vmem>>) target(%dma_start3A_68 : memref<10000x128xf32, #tpu.memory_space<vmem_shared>>) offsets(%dma_start3A_65 : memref<125xi32, #tpu.memory_space<vmem>>) semaphore(%run_scoped3A_62 : memref<!tpu.dma_semaphore, #tpu.memory_space<semaphore_mem>>) {add = true}
        %dma_wait3A_69 = arith.constant 0 : i32
        %dma_wait3A_70 = tpu.memref_slice %arg6[%run_scoped3A, %dma_wait3A_69] : memref<40x125xi32, #tpu.memory_space<vmem>> -> memref<1x125xi32, #tpu.memory_space<vmem>>
        %dma_wait3A_71 = tpu.memref_squeeze %dma_wait3A_70 : memref<1x125xi32, #tpu.memory_space<vmem>> -> memref<125xi32, #tpu.memory_space<vmem>>
        %dma_wait3A_72 = arith.constant 0 : i32
        %dma_wait3A_73 = arith.constant 0 : i32
        %dma_wait3A_74 = tpu.memref_slice %arg10[%dma_wait3A_72, %dma_wait3A_73] : memref<10000x128xf32, #tpu.memory_space<vmem_shared>> -> memref<10000x128xf32, #tpu.memory_space<vmem_shared>>
        tpu.wait_indirect_dma semaphore(%run_scoped3A_62 : memref<!tpu.dma_semaphore, #tpu.memory_space<semaphore_mem>>) src(%arg8 : memref<125x128xf32, #tpu.memory_space<vmem>>) dst(%dma_wait3A_74 : memref<10000x128xf32, #tpu.memory_space<vmem_shared>>)
        tpu.yield
      }) : () -> ()
      %dma_wait3A_54 = arith.constant 39 : i32
      %dma_wait3A_55 = arith.constant 0 : i32
      %dma_wait3A_56 = tpu.memref_slice %arg7[%dma_wait3A_54, %dma_wait3A_55] : memref<40x125xi32, #tpu.memory_space<vmem>> -> memref<1x125xi32, #tpu.memory_space<vmem>>
      %dma_wait3A_57 = tpu.memref_squeeze %dma_wait3A_56 : memref<1x125xi32, #tpu.memory_space<vmem>> -> memref<125xi32, #tpu.memory_space<vmem>>
      %dma_wait3A_58 = arith.constant 0 : i32
      %dma_wait3A_59 = arith.constant 0 : i32
      %dma_wait3A_60 = tpu.memref_slice %arg2[%dma_wait3A_58, %dma_wait3A_59] : memref<10000x128xf32, #tpu.memory_space<hbm>> -> memref<10000x128xf32, #tpu.memory_space<hbm>>
      tpu.wait_indirect_dma semaphore(%arg12 : memref<!tpu.dma_semaphore, #tpu.memory_space<semaphore_mem>>) src(%dma_wait3A_60 : memref<10000x128xf32, #tpu.memory_space<hbm>>) dst(%arg9 : memref<125x128xf32, #tpu.memory_space<vmem>>)
      %run_scoped3A_61 = arith.constant 39 : i32
      "tpu.region"() ({
        %run_scoped3A_62 = tpu.sem_alloc : memref<!tpu.dma_semaphore, #tpu.memory_space<semaphore_mem>>
        %dma_start3A_63 = arith.constant 0 : i32
        %dma_start3A_64 = tpu.memref_slice %arg6[%run_scoped3A_61, %dma_start3A_63] : memref<40x125xi32, #tpu.memory_space<vmem>> -> memref<1x125xi32, #tpu.memory_space<vmem>>
        %dma_start3A_65 = tpu.memref_squeeze %dma_start3A_64 : memref<1x125xi32, #tpu.memory_space<vmem>> -> memref<125xi32, #tpu.memory_space<vmem>>
        %dma_start3A_66 = arith.constant 0 : i32
        %dma_start3A_67 = arith.constant 0 : i32
        %dma_start3A_68 = tpu.memref_slice %arg10[%dma_start3A_66, %dma_start3A_67] : memref<10000x128xf32, #tpu.memory_space<vmem_shared>> -> memref<10000x128xf32, #tpu.memory_space<vmem_shared>>
        tpu.enqueue_indirect_dma source(%arg9 : memref<125x128xf32, #tpu.memory_space<vmem>>) target(%dma_start3A_68 : memref<10000x128xf32, #tpu.memory_space<vmem_shared>>) offsets(%dma_start3A_65 : memref<125xi32, #tpu.memory_space<vmem>>) semaphore(%run_scoped3A_62 : memref<!tpu.dma_semaphore, #tpu.memory_space<semaphore_mem>>) {add = true}
        %dma_wait3A_69 = arith.constant 0 : i32
        %dma_wait3A_70 = tpu.memref_slice %arg6[%run_scoped3A_61, %dma_wait3A_69] : memref<40x125xi32, #tpu.memory_space<vmem>> -> memref<1x125xi32, #tpu.memory_space<vmem>>
        %dma_wait3A_71 = tpu.memref_squeeze %dma_wait3A_70 : memref<1x125xi32, #tpu.memory_space<vmem>> -> memref<125xi32, #tpu.memory_space<vmem>>
        %dma_wait3A_72 = arith.constant 0 : i32
        %dma_wait3A_73 = arith.constant 0 : i32
        %dma_wait3A_74 = tpu.memref_slice %arg10[%dma_wait3A_72, %dma_wait3A_73] : memref<10000x128xf32, #tpu.memory_space<vmem_shared>> -> memref<10000x128xf32, #tpu.memory_space<vmem_shared>>
        tpu.wait_indirect_dma semaphore(%run_scoped3A_62 : memref<!tpu.dma_semaphore, #tpu.memory_space<semaphore_mem>>) src(%arg9 : memref<125x128xf32, #tpu.memory_space<vmem>>) dst(%dma_wait3A_74 : memref<10000x128xf32, #tpu.memory_space<vmem_shared>>)
        tpu.yield
      }) : () -> ()
    }
    %scan3A_15 = arith.constant 2 : i32
    %barrier3A_16 = arith.constant 0 : index
    tpu.barrier barrier_id(%barrier3A_16)
    %mul3A_17 = arith.constant 624 : i32
    %mul3A_18 = arith.muli %arg1, %mul3A_17 : i32
    %mul3A_19 = arith.constant 624 : i32
    %mul3A_20 = arith.muli %arg1, %mul3A_19 : i32
    "tpu.region"() ({
      %run_scoped3A = tpu.sem_alloc : memref<!tpu.dma_semaphore, #tpu.memory_space<semaphore_mem>>
      %dma_start3A = arith.constant 0 : i32
      %dma_start3A_21 = tpu.memref_slice %arg5[%arg0, %mul3A_20, %dma_start3A] : memref<2x10000x128xf32, #tpu.memory_space<hbm>> -> memref<1x640x128xf32, #tpu.memory_space<hbm>>
      %dma_start3A_22 = tpu.memref_squeeze %dma_start3A_21 : memref<1x640x128xf32, #tpu.memory_space<hbm>> -> memref<640x128xf32, #tpu.memory_space<hbm>>
      %dma_start3A_23 = arith.constant 0 : i32
      %dma_start3A_24 = tpu.memref_slice %arg10[%mul3A_18, %dma_start3A_23] : memref<10000x128xf32, #tpu.memory_space<vmem_shared>> -> memref<640x128xf32, #tpu.memory_space<vmem_shared>>
      tpu.enqueue_dma source(%dma_start3A_24 : memref<640x128xf32, #tpu.memory_space<vmem_shared>>) target(%dma_start3A_22 : memref<640x128xf32, #tpu.memory_space<hbm>>) target_semaphore(%run_scoped3A : memref<!tpu.dma_semaphore, #tpu.memory_space<semaphore_mem>>)
      %dma_wait3A = arith.constant 0 : i32
      %dma_wait3A_25 = tpu.memref_slice %arg5[%arg0, %mul3A_20, %dma_wait3A] : memref<2x10000x128xf32, #tpu.memory_space<hbm>> -> memref<1x640x128xf32, #tpu.memory_space<hbm>>
      %dma_wait3A_26 = tpu.memref_squeeze %dma_wait3A_25 : memref<1x640x128xf32, #tpu.memory_space<hbm>> -> memref<640x128xf32, #tpu.memory_space<hbm>>
      %dma_wait3A_27 = arith.constant 0 : i32
      %dma_wait3A_28 = tpu.memref_slice %arg10[%mul3A_18, %dma_wait3A_27] : memref<10000x128xf32, #tpu.memory_space<vmem_shared>> -> memref<640x128xf32, #tpu.memory_space<vmem_shared>>
      tpu.wait_dma2 semaphore(%run_scoped3A : memref<!tpu.dma_semaphore, #tpu.memory_space<semaphore_mem>>) src(%dma_wait3A_28 : memref<640x128xf32, #tpu.memory_space<vmem_shared>>) dst(%dma_wait3A_26 : memref<640x128xf32, #tpu.memory_space<hbm>>)
      tpu.yield
    }) : () -> ()
    return
  }
}

module attributes {stable_mosaic.version = 14 : i64} {
  func.func @_degnorm_body(%arg0: memref<2x32x80x125xf32, #tpu.memory_space<vmem>>, %arg1: memref<2x80x125xf32, #tpu.memory_space<vmem>>) attributes {dimension_semantics = [], scalar_prefetch = 0 : i64, scratch_operands = 0 : i64, tpu.core_type = #tpu.core_type<tc>} {
    %get3A = arith.constant 0 : index
    %get3A_0 = arith.constant 0 : index
    %get3A_1 = arith.constant 0 : index
    %get3A_2 = arith.constant 0 : index
    %get3A_3 = vector.load %arg0[%get3A, %get3A_0, %get3A_1, %get3A_2] : memref<2x32x80x125xf32, #tpu.memory_space<vmem>>, vector<1x1x80x125xf32>
    %get3A_4 = vector.shape_cast %get3A_3 : vector<1x1x80x125xf32> to vector<80x125xf32>
    %get3A_5 = arith.constant 0 : index
    %get3A_6 = arith.constant 1 : index
    %get3A_7 = arith.constant 0 : index
    %get3A_8 = arith.constant 0 : index
    %get3A_9 = vector.load %arg0[%get3A_5, %get3A_6, %get3A_7, %get3A_8] : memref<2x32x80x125xf32, #tpu.memory_space<vmem>>, vector<1x1x80x125xf32>
    %get3A_10 = vector.shape_cast %get3A_9 : vector<1x1x80x125xf32> to vector<80x125xf32>
    %add3A = arith.addf %get3A_4, %get3A_10 : vector<80x125xf32>
    %get3A_11 = arith.constant 0 : index
    %get3A_12 = arith.constant 2 : index
    %get3A_13 = arith.constant 0 : index
    %get3A_14 = arith.constant 0 : index
    %get3A_15 = vector.load %arg0[%get3A_11, %get3A_12, %get3A_13, %get3A_14] : memref<2x32x80x125xf32, #tpu.memory_space<vmem>>, vector<1x1x80x125xf32>
    %get3A_16 = vector.shape_cast %get3A_15 : vector<1x1x80x125xf32> to vector<80x125xf32>
    %add3A_17 = arith.addf %add3A, %get3A_16 : vector<80x125xf32>
    %get3A_18 = arith.constant 0 : index
    %get3A_19 = arith.constant 3 : index
    %get3A_20 = arith.constant 0 : index
    %get3A_21 = arith.constant 0 : index
    %get3A_22 = vector.load %arg0[%get3A_18, %get3A_19, %get3A_20, %get3A_21] : memref<2x32x80x125xf32, #tpu.memory_space<vmem>>, vector<1x1x80x125xf32>
    %get3A_23 = vector.shape_cast %get3A_22 : vector<1x1x80x125xf32> to vector<80x125xf32>
    %add3A_24 = arith.addf %add3A_17, %get3A_23 : vector<80x125xf32>
    %get3A_25 = arith.constant 0 : index
    %get3A_26 = arith.constant 4 : index
    %get3A_27 = arith.constant 0 : index
    %get3A_28 = arith.constant 0 : index
    %get3A_29 = vector.load %arg0[%get3A_25, %get3A_26, %get3A_27, %get3A_28] : memref<2x32x80x125xf32, #tpu.memory_space<vmem>>, vector<1x1x80x125xf32>
    %get3A_30 = vector.shape_cast %get3A_29 : vector<1x1x80x125xf32> to vector<80x125xf32>
    %add3A_31 = arith.addf %add3A_24, %get3A_30 : vector<80x125xf32>
    %get3A_32 = arith.constant 0 : index
    %get3A_33 = arith.constant 5 : index
    %get3A_34 = arith.constant 0 : index
    %get3A_35 = arith.constant 0 : index
    %get3A_36 = vector.load %arg0[%get3A_32, %get3A_33, %get3A_34, %get3A_35] : memref<2x32x80x125xf32, #tpu.memory_space<vmem>>, vector<1x1x80x125xf32>
    %get3A_37 = vector.shape_cast %get3A_36 : vector<1x1x80x125xf32> to vector<80x125xf32>
    %add3A_38 = arith.addf %add3A_31, %get3A_37 : vector<80x125xf32>
    %get3A_39 = arith.constant 0 : index
    %get3A_40 = arith.constant 6 : index
    %get3A_41 = arith.constant 0 : index
    %get3A_42 = arith.constant 0 : index
    %get3A_43 = vector.load %arg0[%get3A_39, %get3A_40, %get3A_41, %get3A_42] : memref<2x32x80x125xf32, #tpu.memory_space<vmem>>, vector<1x1x80x125xf32>
    %get3A_44 = vector.shape_cast %get3A_43 : vector<1x1x80x125xf32> to vector<80x125xf32>
    %add3A_45 = arith.addf %add3A_38, %get3A_44 : vector<80x125xf32>
    %get3A_46 = arith.constant 0 : index
    %get3A_47 = arith.constant 7 : index
    %get3A_48 = arith.constant 0 : index
    %get3A_49 = arith.constant 0 : index
    %get3A_50 = vector.load %arg0[%get3A_46, %get3A_47, %get3A_48, %get3A_49] : memref<2x32x80x125xf32, #tpu.memory_space<vmem>>, vector<1x1x80x125xf32>
    %get3A_51 = vector.shape_cast %get3A_50 : vector<1x1x80x125xf32> to vector<80x125xf32>
    %add3A_52 = arith.addf %add3A_45, %get3A_51 : vector<80x125xf32>
    %get3A_53 = arith.constant 0 : index
    %get3A_54 = arith.constant 8 : index
    %get3A_55 = arith.constant 0 : index
    %get3A_56 = arith.constant 0 : index
    %get3A_57 = vector.load %arg0[%get3A_53, %get3A_54, %get3A_55, %get3A_56] : memref<2x32x80x125xf32, #tpu.memory_space<vmem>>, vector<1x1x80x125xf32>
    %get3A_58 = vector.shape_cast %get3A_57 : vector<1x1x80x125xf32> to vector<80x125xf32>
    %add3A_59 = arith.addf %add3A_52, %get3A_58 : vector<80x125xf32>
    %get3A_60 = arith.constant 0 : index
    %get3A_61 = arith.constant 9 : index
    %get3A_62 = arith.constant 0 : index
    %get3A_63 = arith.constant 0 : index
    %get3A_64 = vector.load %arg0[%get3A_60, %get3A_61, %get3A_62, %get3A_63] : memref<2x32x80x125xf32, #tpu.memory_space<vmem>>, vector<1x1x80x125xf32>
    %get3A_65 = vector.shape_cast %get3A_64 : vector<1x1x80x125xf32> to vector<80x125xf32>
    %add3A_66 = arith.addf %add3A_59, %get3A_65 : vector<80x125xf32>
    %get3A_67 = arith.constant 0 : index
    %get3A_68 = arith.constant 10 : index
    %get3A_69 = arith.constant 0 : index
    %get3A_70 = arith.constant 0 : index
    %get3A_71 = vector.load %arg0[%get3A_67, %get3A_68, %get3A_69, %get3A_70] : memref<2x32x80x125xf32, #tpu.memory_space<vmem>>, vector<1x1x80x125xf32>
    %get3A_72 = vector.shape_cast %get3A_71 : vector<1x1x80x125xf32> to vector<80x125xf32>
    %add3A_73 = arith.addf %add3A_66, %get3A_72 : vector<80x125xf32>
    %get3A_74 = arith.constant 0 : index
    %get3A_75 = arith.constant 11 : index
    %get3A_76 = arith.constant 0 : index
    %get3A_77 = arith.constant 0 : index
    %get3A_78 = vector.load %arg0[%get3A_74, %get3A_75, %get3A_76, %get3A_77] : memref<2x32x80x125xf32, #tpu.memory_space<vmem>>, vector<1x1x80x125xf32>
    %get3A_79 = vector.shape_cast %get3A_78 : vector<1x1x80x125xf32> to vector<80x125xf32>
    %add3A_80 = arith.addf %add3A_73, %get3A_79 : vector<80x125xf32>
    %get3A_81 = arith.constant 0 : index
    %get3A_82 = arith.constant 12 : index
    %get3A_83 = arith.constant 0 : index
    %get3A_84 = arith.constant 0 : index
    %get3A_85 = vector.load %arg0[%get3A_81, %get3A_82, %get3A_83, %get3A_84] : memref<2x32x80x125xf32, #tpu.memory_space<vmem>>, vector<1x1x80x125xf32>
    %get3A_86 = vector.shape_cast %get3A_85 : vector<1x1x80x125xf32> to vector<80x125xf32>
    %add3A_87 = arith.addf %add3A_80, %get3A_86 : vector<80x125xf32>
    %get3A_88 = arith.constant 0 : index
    %get3A_89 = arith.constant 13 : index
    %get3A_90 = arith.constant 0 : index
    %get3A_91 = arith.constant 0 : index
    %get3A_92 = vector.load %arg0[%get3A_88, %get3A_89, %get3A_90, %get3A_91] : memref<2x32x80x125xf32, #tpu.memory_space<vmem>>, vector<1x1x80x125xf32>
    %get3A_93 = vector.shape_cast %get3A_92 : vector<1x1x80x125xf32> to vector<80x125xf32>
    %add3A_94 = arith.addf %add3A_87, %get3A_93 : vector<80x125xf32>
    %get3A_95 = arith.constant 0 : index
    %get3A_96 = arith.constant 14 : index
    %get3A_97 = arith.constant 0 : index
    %get3A_98 = arith.constant 0 : index
    %get3A_99 = vector.load %arg0[%get3A_95, %get3A_96, %get3A_97, %get3A_98] : memref<2x32x80x125xf32, #tpu.memory_space<vmem>>, vector<1x1x80x125xf32>
    %get3A_100 = vector.shape_cast %get3A_99 : vector<1x1x80x125xf32> to vector<80x125xf32>
    %add3A_101 = arith.addf %add3A_94, %get3A_100 : vector<80x125xf32>
    %get3A_102 = arith.constant 0 : index
    %get3A_103 = arith.constant 15 : index
    %get3A_104 = arith.constant 0 : index
    %get3A_105 = arith.constant 0 : index
    %get3A_106 = vector.load %arg0[%get3A_102, %get3A_103, %get3A_104, %get3A_105] : memref<2x32x80x125xf32, #tpu.memory_space<vmem>>, vector<1x1x80x125xf32>
    %get3A_107 = vector.shape_cast %get3A_106 : vector<1x1x80x125xf32> to vector<80x125xf32>
    %add3A_108 = arith.addf %add3A_101, %get3A_107 : vector<80x125xf32>
    %get3A_109 = arith.constant 0 : index
    %get3A_110 = arith.constant 16 : index
    %get3A_111 = arith.constant 0 : index
    %get3A_112 = arith.constant 0 : index
    %get3A_113 = vector.load %arg0[%get3A_109, %get3A_110, %get3A_111, %get3A_112] : memref<2x32x80x125xf32, #tpu.memory_space<vmem>>, vector<1x1x80x125xf32>
    %get3A_114 = vector.shape_cast %get3A_113 : vector<1x1x80x125xf32> to vector<80x125xf32>
    %add3A_115 = arith.addf %add3A_108, %get3A_114 : vector<80x125xf32>
    %get3A_116 = arith.constant 0 : index
    %get3A_117 = arith.constant 17 : index
    %get3A_118 = arith.constant 0 : index
    %get3A_119 = arith.constant 0 : index
    %get3A_120 = vector.load %arg0[%get3A_116, %get3A_117, %get3A_118, %get3A_119] : memref<2x32x80x125xf32, #tpu.memory_space<vmem>>, vector<1x1x80x125xf32>
    %get3A_121 = vector.shape_cast %get3A_120 : vector<1x1x80x125xf32> to vector<80x125xf32>
    %add3A_122 = arith.addf %add3A_115, %get3A_121 : vector<80x125xf32>
    %get3A_123 = arith.constant 0 : index
    %get3A_124 = arith.constant 18 : index
    %get3A_125 = arith.constant 0 : index
    %get3A_126 = arith.constant 0 : index
    %get3A_127 = vector.load %arg0[%get3A_123, %get3A_124, %get3A_125, %get3A_126] : memref<2x32x80x125xf32, #tpu.memory_space<vmem>>, vector<1x1x80x125xf32>
    %get3A_128 = vector.shape_cast %get3A_127 : vector<1x1x80x125xf32> to vector<80x125xf32>
    %add3A_129 = arith.addf %add3A_122, %get3A_128 : vector<80x125xf32>
    %get3A_130 = arith.constant 0 : index
    %get3A_131 = arith.constant 19 : index
    %get3A_132 = arith.constant 0 : index
    %get3A_133 = arith.constant 0 : index
    %get3A_134 = vector.load %arg0[%get3A_130, %get3A_131, %get3A_132, %get3A_133] : memref<2x32x80x125xf32, #tpu.memory_space<vmem>>, vector<1x1x80x125xf32>
    %get3A_135 = vector.shape_cast %get3A_134 : vector<1x1x80x125xf32> to vector<80x125xf32>
    %add3A_136 = arith.addf %add3A_129, %get3A_135 : vector<80x125xf32>
    %get3A_137 = arith.constant 0 : index
    %get3A_138 = arith.constant 20 : index
    %get3A_139 = arith.constant 0 : index
    %get3A_140 = arith.constant 0 : index
    %get3A_141 = vector.load %arg0[%get3A_137, %get3A_138, %get3A_139, %get3A_140] : memref<2x32x80x125xf32, #tpu.memory_space<vmem>>, vector<1x1x80x125xf32>
    %get3A_142 = vector.shape_cast %get3A_141 : vector<1x1x80x125xf32> to vector<80x125xf32>
    %add3A_143 = arith.addf %add3A_136, %get3A_142 : vector<80x125xf32>
    %get3A_144 = arith.constant 0 : index
    %get3A_145 = arith.constant 21 : index
    %get3A_146 = arith.constant 0 : index
    %get3A_147 = arith.constant 0 : index
    %get3A_148 = vector.load %arg0[%get3A_144, %get3A_145, %get3A_146, %get3A_147] : memref<2x32x80x125xf32, #tpu.memory_space<vmem>>, vector<1x1x80x125xf32>
    %get3A_149 = vector.shape_cast %get3A_148 : vector<1x1x80x125xf32> to vector<80x125xf32>
    %add3A_150 = arith.addf %add3A_143, %get3A_149 : vector<80x125xf32>
    %get3A_151 = arith.constant 0 : index
    %get3A_152 = arith.constant 22 : index
    %get3A_153 = arith.constant 0 : index
    %get3A_154 = arith.constant 0 : index
    %get3A_155 = vector.load %arg0[%get3A_151, %get3A_152, %get3A_153, %get3A_154] : memref<2x32x80x125xf32, #tpu.memory_space<vmem>>, vector<1x1x80x125xf32>
    %get3A_156 = vector.shape_cast %get3A_155 : vector<1x1x80x125xf32> to vector<80x125xf32>
    %add3A_157 = arith.addf %add3A_150, %get3A_156 : vector<80x125xf32>
    %get3A_158 = arith.constant 0 : index
    %get3A_159 = arith.constant 23 : index
    %get3A_160 = arith.constant 0 : index
    %get3A_161 = arith.constant 0 : index
    %get3A_162 = vector.load %arg0[%get3A_158, %get3A_159, %get3A_160, %get3A_161] : memref<2x32x80x125xf32, #tpu.memory_space<vmem>>, vector<1x1x80x125xf32>
    %get3A_163 = vector.shape_cast %get3A_162 : vector<1x1x80x125xf32> to vector<80x125xf32>
    %add3A_164 = arith.addf %add3A_157, %get3A_163 : vector<80x125xf32>
    %get3A_165 = arith.constant 0 : index
    %get3A_166 = arith.constant 24 : index
    %get3A_167 = arith.constant 0 : index
    %get3A_168 = arith.constant 0 : index
    %get3A_169 = vector.load %arg0[%get3A_165, %get3A_166, %get3A_167, %get3A_168] : memref<2x32x80x125xf32, #tpu.memory_space<vmem>>, vector<1x1x80x125xf32>
    %get3A_170 = vector.shape_cast %get3A_169 : vector<1x1x80x125xf32> to vector<80x125xf32>
    %add3A_171 = arith.addf %add3A_164, %get3A_170 : vector<80x125xf32>
    %get3A_172 = arith.constant 0 : index
    %get3A_173 = arith.constant 25 : index
    %get3A_174 = arith.constant 0 : index
    %get3A_175 = arith.constant 0 : index
    %get3A_176 = vector.load %arg0[%get3A_172, %get3A_173, %get3A_174, %get3A_175] : memref<2x32x80x125xf32, #tpu.memory_space<vmem>>, vector<1x1x80x125xf32>
    %get3A_177 = vector.shape_cast %get3A_176 : vector<1x1x80x125xf32> to vector<80x125xf32>
    %add3A_178 = arith.addf %add3A_171, %get3A_177 : vector<80x125xf32>
    %get3A_179 = arith.constant 0 : index
    %get3A_180 = arith.constant 26 : index
    %get3A_181 = arith.constant 0 : index
    %get3A_182 = arith.constant 0 : index
    %get3A_183 = vector.load %arg0[%get3A_179, %get3A_180, %get3A_181, %get3A_182] : memref<2x32x80x125xf32, #tpu.memory_space<vmem>>, vector<1x1x80x125xf32>
    %get3A_184 = vector.shape_cast %get3A_183 : vector<1x1x80x125xf32> to vector<80x125xf32>
    %add3A_185 = arith.addf %add3A_178, %get3A_184 : vector<80x125xf32>
    %get3A_186 = arith.constant 0 : index
    %get3A_187 = arith.constant 27 : index
    %get3A_188 = arith.constant 0 : index
    %get3A_189 = arith.constant 0 : index
    %get3A_190 = vector.load %arg0[%get3A_186, %get3A_187, %get3A_188, %get3A_189] : memref<2x32x80x125xf32, #tpu.memory_space<vmem>>, vector<1x1x80x125xf32>
    %get3A_191 = vector.shape_cast %get3A_190 : vector<1x1x80x125xf32> to vector<80x125xf32>
    %add3A_192 = arith.addf %add3A_185, %get3A_191 : vector<80x125xf32>
    %get3A_193 = arith.constant 0 : index
    %get3A_194 = arith.constant 28 : index
    %get3A_195 = arith.constant 0 : index
    %get3A_196 = arith.constant 0 : index
    %get3A_197 = vector.load %arg0[%get3A_193, %get3A_194, %get3A_195, %get3A_196] : memref<2x32x80x125xf32, #tpu.memory_space<vmem>>, vector<1x1x80x125xf32>
    %get3A_198 = vector.shape_cast %get3A_197 : vector<1x1x80x125xf32> to vector<80x125xf32>
    %add3A_199 = arith.addf %add3A_192, %get3A_198 : vector<80x125xf32>
    %get3A_200 = arith.constant 0 : index
    %get3A_201 = arith.constant 29 : index
    %get3A_202 = arith.constant 0 : index
    %get3A_203 = arith.constant 0 : index
    %get3A_204 = vector.load %arg0[%get3A_200, %get3A_201, %get3A_202, %get3A_203] : memref<2x32x80x125xf32, #tpu.memory_space<vmem>>, vector<1x1x80x125xf32>
    %get3A_205 = vector.shape_cast %get3A_204 : vector<1x1x80x125xf32> to vector<80x125xf32>
    %add3A_206 = arith.addf %add3A_199, %get3A_205 : vector<80x125xf32>
    %get3A_207 = arith.constant 0 : index
    %get3A_208 = arith.constant 30 : index
    %get3A_209 = arith.constant 0 : index
    %get3A_210 = arith.constant 0 : index
    %get3A_211 = vector.load %arg0[%get3A_207, %get3A_208, %get3A_209, %get3A_210] : memref<2x32x80x125xf32, #tpu.memory_space<vmem>>, vector<1x1x80x125xf32>
    %get3A_212 = vector.shape_cast %get3A_211 : vector<1x1x80x125xf32> to vector<80x125xf32>
    %add3A_213 = arith.addf %add3A_206, %get3A_212 : vector<80x125xf32>
    %get3A_214 = arith.constant 0 : index
    %get3A_215 = arith.constant 31 : index
    %get3A_216 = arith.constant 0 : index
    %get3A_217 = arith.constant 0 : index
    %get3A_218 = vector.load %arg0[%get3A_214, %get3A_215, %get3A_216, %get3A_217] : memref<2x32x80x125xf32, #tpu.memory_space<vmem>>, vector<1x1x80x125xf32>
    %get3A_219 = vector.shape_cast %get3A_218 : vector<1x1x80x125xf32> to vector<80x125xf32>
    %add3A_220 = arith.addf %add3A_213, %get3A_219 : vector<80x125xf32>
    %gt3A = arith.constant 0.000000e+00 : f32
    %gt3A_221 = vector.broadcast %gt3A : f32 to vector<80x125xf32>
    %gt3A_222 = arith.cmpf ogt, %add3A_220, %gt3A_221 : vector<80x125xf32>
    %rsqrt3A = math.rsqrt %add3A_220 : vector<80x125xf32>
    %jit3A = arith.constant 0.000000e+00 : f32
    %broadcast_in_dim3A = vector.broadcast %jit3A : f32 to vector<80x125xf32>
    %select_n3A = arith.select %gt3A_222, %rsqrt3A, %broadcast_in_dim3A : vector<80x125xi1>, vector<80x125xf32>
    %swap3A = arith.constant 0 : index
    %swap3A_223 = arith.constant 0 : index
    %swap3A_224 = arith.constant 0 : index
    %swap3A_225 = vector.load %arg1[%swap3A, %swap3A_223, %swap3A_224] : memref<2x80x125xf32, #tpu.memory_space<vmem>>, vector<1x80x125xf32>
    %swap3A_226 = vector.shape_cast %swap3A_225 : vector<1x80x125xf32> to vector<80x125xf32>
    %swap3A_227 = vector.shape_cast %select_n3A : vector<80x125xf32> to vector<1x80x125xf32>
    tpu.vector_store %arg1[%swap3A, %swap3A_223, %swap3A_224], %swap3A_227 {strides = array<i32>} : memref<2x80x125xf32, #tpu.memory_space<vmem>>, vector<1x80x125xf32>,
    %get3A_228 = arith.constant 1 : index
    %get3A_229 = arith.constant 0 : index
    %get3A_230 = arith.constant 0 : index
    %get3A_231 = arith.constant 0 : index
    %get3A_232 = vector.load %arg0[%get3A_228, %get3A_229, %get3A_230, %get3A_231] : memref<2x32x80x125xf32, #tpu.memory_space<vmem>>, vector<1x1x80x125xf32>
    %get3A_233 = vector.shape_cast %get3A_232 : vector<1x1x80x125xf32> to vector<80x125xf32>
    %get3A_234 = arith.constant 1 : index
    %get3A_235 = arith.constant 1 : index
    %get3A_236 = arith.constant 0 : index
    %get3A_237 = arith.constant 0 : index
    %get3A_238 = vector.load %arg0[%get3A_234, %get3A_235, %get3A_236, %get3A_237] : memref<2x32x80x125xf32, #tpu.memory_space<vmem>>, vector<1x1x80x125xf32>
    %get3A_239 = vector.shape_cast %get3A_238 : vector<1x1x80x125xf32> to vector<80x125xf32>
    %add3A_240 = arith.addf %get3A_233, %get3A_239 : vector<80x125xf32>
    %get3A_241 = arith.constant 1 : index
    %get3A_242 = arith.constant 2 : index
    %get3A_243 = arith.constant 0 : index
    %get3A_244 = arith.constant 0 : index
    %get3A_245 = vector.load %arg0[%get3A_241, %get3A_242, %get3A_243, %get3A_244] : memref<2x32x80x125xf32, #tpu.memory_space<vmem>>, vector<1x1x80x125xf32>
    %get3A_246 = vector.shape_cast %get3A_245 : vector<1x1x80x125xf32> to vector<80x125xf32>
    %add3A_247 = arith.addf %add3A_240, %get3A_246 : vector<80x125xf32>
    %get3A_248 = arith.constant 1 : index
    %get3A_249 = arith.constant 3 : index
    %get3A_250 = arith.constant 0 : index
    %get3A_251 = arith.constant 0 : index
    %get3A_252 = vector.load %arg0[%get3A_248, %get3A_249, %get3A_250, %get3A_251] : memref<2x32x80x125xf32, #tpu.memory_space<vmem>>, vector<1x1x80x125xf32>
    %get3A_253 = vector.shape_cast %get3A_252 : vector<1x1x80x125xf32> to vector<80x125xf32>
    %add3A_254 = arith.addf %add3A_247, %get3A_253 : vector<80x125xf32>
    %get3A_255 = arith.constant 1 : index
    %get3A_256 = arith.constant 4 : index
    %get3A_257 = arith.constant 0 : index
    %get3A_258 = arith.constant 0 : index
    %get3A_259 = vector.load %arg0[%get3A_255, %get3A_256, %get3A_257, %get3A_258] : memref<2x32x80x125xf32, #tpu.memory_space<vmem>>, vector<1x1x80x125xf32>
    %get3A_260 = vector.shape_cast %get3A_259 : vector<1x1x80x125xf32> to vector<80x125xf32>
    %add3A_261 = arith.addf %add3A_254, %get3A_260 : vector<80x125xf32>
    %get3A_262 = arith.constant 1 : index
    %get3A_263 = arith.constant 5 : index
    %get3A_264 = arith.constant 0 : index
    %get3A_265 = arith.constant 0 : index
    %get3A_266 = vector.load %arg0[%get3A_262, %get3A_263, %get3A_264, %get3A_265] : memref<2x32x80x125xf32, #tpu.memory_space<vmem>>, vector<1x1x80x125xf32>
    %get3A_267 = vector.shape_cast %get3A_266 : vector<1x1x80x125xf32> to vector<80x125xf32>
    %add3A_268 = arith.addf %add3A_261, %get3A_267 : vector<80x125xf32>
    %get3A_269 = arith.constant 1 : index
    %get3A_270 = arith.constant 6 : index
    %get3A_271 = arith.constant 0 : index
    %get3A_272 = arith.constant 0 : index
    %get3A_273 = vector.load %arg0[%get3A_269, %get3A_270, %get3A_271, %get3A_272] : memref<2x32x80x125xf32, #tpu.memory_space<vmem>>, vector<1x1x80x125xf32>
    %get3A_274 = vector.shape_cast %get3A_273 : vector<1x1x80x125xf32> to vector<80x125xf32>
    %add3A_275 = arith.addf %add3A_268, %get3A_274 : vector<80x125xf32>
    %get3A_276 = arith.constant 1 : index
    %get3A_277 = arith.constant 7 : index
    %get3A_278 = arith.constant 0 : index
    %get3A_279 = arith.constant 0 : index
    %get3A_280 = vector.load %arg0[%get3A_276, %get3A_277, %get3A_278, %get3A_279] : memref<2x32x80x125xf32, #tpu.memory_space<vmem>>, vector<1x1x80x125xf32>
    %get3A_281 = vector.shape_cast %get3A_280 : vector<1x1x80x125xf32> to vector<80x125xf32>
    %add3A_282 = arith.addf %add3A_275, %get3A_281 : vector<80x125xf32>
    %get3A_283 = arith.constant 1 : index
    %get3A_284 = arith.constant 8 : index
    %get3A_285 = arith.constant 0 : index
    %get3A_286 = arith.constant 0 : index
    %get3A_287 = vector.load %arg0[%get3A_283, %get3A_284, %get3A_285, %get3A_286] : memref<2x32x80x125xf32, #tpu.memory_space<vmem>>, vector<1x1x80x125xf32>
    %get3A_288 = vector.shape_cast %get3A_287 : vector<1x1x80x125xf32> to vector<80x125xf32>
    %add3A_289 = arith.addf %add3A_282, %get3A_288 : vector<80x125xf32>
    %get3A_290 = arith.constant 1 : index
    %get3A_291 = arith.constant 9 : index
    %get3A_292 = arith.constant 0 : index
    %get3A_293 = arith.constant 0 : index
    %get3A_294 = vector.load %arg0[%get3A_290, %get3A_291, %get3A_292, %get3A_293] : memref<2x32x80x125xf32, #tpu.memory_space<vmem>>, vector<1x1x80x125xf32>
    %get3A_295 = vector.shape_cast %get3A_294 : vector<1x1x80x125xf32> to vector<80x125xf32>
    %add3A_296 = arith.addf %add3A_289, %get3A_295 : vector<80x125xf32>
    %get3A_297 = arith.constant 1 : index
    %get3A_298 = arith.constant 10 : index
    %get3A_299 = arith.constant 0 : index
    %get3A_300 = arith.constant 0 : index
    %get3A_301 = vector.load %arg0[%get3A_297, %get3A_298, %get3A_299, %get3A_300] : memref<2x32x80x125xf32, #tpu.memory_space<vmem>>, vector<1x1x80x125xf32>
    %get3A_302 = vector.shape_cast %get3A_301 : vector<1x1x80x125xf32> to vector<80x125xf32>
    %add3A_303 = arith.addf %add3A_296, %get3A_302 : vector<80x125xf32>
    %get3A_304 = arith.constant 1 : index
    %get3A_305 = arith.constant 11 : index
    %get3A_306 = arith.constant 0 : index
    %get3A_307 = arith.constant 0 : index
    %get3A_308 = vector.load %arg0[%get3A_304, %get3A_305, %get3A_306, %get3A_307] : memref<2x32x80x125xf32, #tpu.memory_space<vmem>>, vector<1x1x80x125xf32>
    %get3A_309 = vector.shape_cast %get3A_308 : vector<1x1x80x125xf32> to vector<80x125xf32>
    %add3A_310 = arith.addf %add3A_303, %get3A_309 : vector<80x125xf32>
    %get3A_311 = arith.constant 1 : index
    %get3A_312 = arith.constant 12 : index
    %get3A_313 = arith.constant 0 : index
    %get3A_314 = arith.constant 0 : index
    %get3A_315 = vector.load %arg0[%get3A_311, %get3A_312, %get3A_313, %get3A_314] : memref<2x32x80x125xf32, #tpu.memory_space<vmem>>, vector<1x1x80x125xf32>
    %get3A_316 = vector.shape_cast %get3A_315 : vector<1x1x80x125xf32> to vector<80x125xf32>
    %add3A_317 = arith.addf %add3A_310, %get3A_316 : vector<80x125xf32>
    %get3A_318 = arith.constant 1 : index
    %get3A_319 = arith.constant 13 : index
    %get3A_320 = arith.constant 0 : index
    %get3A_321 = arith.constant 0 : index
    %get3A_322 = vector.load %arg0[%get3A_318, %get3A_319, %get3A_320, %get3A_321] : memref<2x32x80x125xf32, #tpu.memory_space<vmem>>, vector<1x1x80x125xf32>
    %get3A_323 = vector.shape_cast %get3A_322 : vector<1x1x80x125xf32> to vector<80x125xf32>
    %add3A_324 = arith.addf %add3A_317, %get3A_323 : vector<80x125xf32>
    %get3A_325 = arith.constant 1 : index
    %get3A_326 = arith.constant 14 : index
    %get3A_327 = arith.constant 0 : index
    %get3A_328 = arith.constant 0 : index
    %get3A_329 = vector.load %arg0[%get3A_325, %get3A_326, %get3A_327, %get3A_328] : memref<2x32x80x125xf32, #tpu.memory_space<vmem>>, vector<1x1x80x125xf32>
    %get3A_330 = vector.shape_cast %get3A_329 : vector<1x1x80x125xf32> to vector<80x125xf32>
    %add3A_331 = arith.addf %add3A_324, %get3A_330 : vector<80x125xf32>
    %get3A_332 = arith.constant 1 : index
    %get3A_333 = arith.constant 15 : index
    %get3A_334 = arith.constant 0 : index
    %get3A_335 = arith.constant 0 : index
    %get3A_336 = vector.load %arg0[%get3A_332, %get3A_333, %get3A_334, %get3A_335] : memref<2x32x80x125xf32, #tpu.memory_space<vmem>>, vector<1x1x80x125xf32>
    %get3A_337 = vector.shape_cast %get3A_336 : vector<1x1x80x125xf32> to vector<80x125xf32>
    %add3A_338 = arith.addf %add3A_331, %get3A_337 : vector<80x125xf32>
    %get3A_339 = arith.constant 1 : index
    %get3A_340 = arith.constant 16 : index
    %get3A_341 = arith.constant 0 : index
    %get3A_342 = arith.constant 0 : index
    %get3A_343 = vector.load %arg0[%get3A_339, %get3A_340, %get3A_341, %get3A_342] : memref<2x32x80x125xf32, #tpu.memory_space<vmem>>, vector<1x1x80x125xf32>
    %get3A_344 = vector.shape_cast %get3A_343 : vector<1x1x80x125xf32> to vector<80x125xf32>
    %add3A_345 = arith.addf %add3A_338, %get3A_344 : vector<80x125xf32>
    %get3A_346 = arith.constant 1 : index
    %get3A_347 = arith.constant 17 : index
    %get3A_348 = arith.constant 0 : index
    %get3A_349 = arith.constant 0 : index
    %get3A_350 = vector.load %arg0[%get3A_346, %get3A_347, %get3A_348, %get3A_349] : memref<2x32x80x125xf32, #tpu.memory_space<vmem>>, vector<1x1x80x125xf32>
    %get3A_351 = vector.shape_cast %get3A_350 : vector<1x1x80x125xf32> to vector<80x125xf32>
    %add3A_352 = arith.addf %add3A_345, %get3A_351 : vector<80x125xf32>
    %get3A_353 = arith.constant 1 : index
    %get3A_354 = arith.constant 18 : index
    %get3A_355 = arith.constant 0 : index
    %get3A_356 = arith.constant 0 : index
    %get3A_357 = vector.load %arg0[%get3A_353, %get3A_354, %get3A_355, %get3A_356] : memref<2x32x80x125xf32, #tpu.memory_space<vmem>>, vector<1x1x80x125xf32>
    %get3A_358 = vector.shape_cast %get3A_357 : vector<1x1x80x125xf32> to vector<80x125xf32>
    %add3A_359 = arith.addf %add3A_352, %get3A_358 : vector<80x125xf32>
    %get3A_360 = arith.constant 1 : index
    %get3A_361 = arith.constant 19 : index
    %get3A_362 = arith.constant 0 : index
    %get3A_363 = arith.constant 0 : index
    %get3A_364 = vector.load %arg0[%get3A_360, %get3A_361, %get3A_362, %get3A_363] : memref<2x32x80x125xf32, #tpu.memory_space<vmem>>, vector<1x1x80x125xf32>
    %get3A_365 = vector.shape_cast %get3A_364 : vector<1x1x80x125xf32> to vector<80x125xf32>
    %add3A_366 = arith.addf %add3A_359, %get3A_365 : vector<80x125xf32>
    %get3A_367 = arith.constant 1 : index
    %get3A_368 = arith.constant 20 : index
    %get3A_369 = arith.constant 0 : index
    %get3A_370 = arith.constant 0 : index
    %get3A_371 = vector.load %arg0[%get3A_367, %get3A_368, %get3A_369, %get3A_370] : memref<2x32x80x125xf32, #tpu.memory_space<vmem>>, vector<1x1x80x125xf32>
    %get3A_372 = vector.shape_cast %get3A_371 : vector<1x1x80x125xf32> to vector<80x125xf32>
    %add3A_373 = arith.addf %add3A_366, %get3A_372 : vector<80x125xf32>
    %get3A_374 = arith.constant 1 : index
    %get3A_375 = arith.constant 21 : index
    %get3A_376 = arith.constant 0 : index
    %get3A_377 = arith.constant 0 : index
    %get3A_378 = vector.load %arg0[%get3A_374, %get3A_375, %get3A_376, %get3A_377] : memref<2x32x80x125xf32, #tpu.memory_space<vmem>>, vector<1x1x80x125xf32>
    %get3A_379 = vector.shape_cast %get3A_378 : vector<1x1x80x125xf32> to vector<80x125xf32>
    %add3A_380 = arith.addf %add3A_373, %get3A_379 : vector<80x125xf32>
    %get3A_381 = arith.constant 1 : index
    %get3A_382 = arith.constant 22 : index
    %get3A_383 = arith.constant 0 : index
    %get3A_384 = arith.constant 0 : index
    %get3A_385 = vector.load %arg0[%get3A_381, %get3A_382, %get3A_383, %get3A_384] : memref<2x32x80x125xf32, #tpu.memory_space<vmem>>, vector<1x1x80x125xf32>
    %get3A_386 = vector.shape_cast %get3A_385 : vector<1x1x80x125xf32> to vector<80x125xf32>
    %add3A_387 = arith.addf %add3A_380, %get3A_386 : vector<80x125xf32>
    %get3A_388 = arith.constant 1 : index
    %get3A_389 = arith.constant 23 : index
    %get3A_390 = arith.constant 0 : index
    %get3A_391 = arith.constant 0 : index
    %get3A_392 = vector.load %arg0[%get3A_388, %get3A_389, %get3A_390, %get3A_391] : memref<2x32x80x125xf32, #tpu.memory_space<vmem>>, vector<1x1x80x125xf32>
    %get3A_393 = vector.shape_cast %get3A_392 : vector<1x1x80x125xf32> to vector<80x125xf32>
    %add3A_394 = arith.addf %add3A_387, %get3A_393 : vector<80x125xf32>
    %get3A_395 = arith.constant 1 : index
    %get3A_396 = arith.constant 24 : index
    %get3A_397 = arith.constant 0 : index
    %get3A_398 = arith.constant 0 : index
    %get3A_399 = vector.load %arg0[%get3A_395, %get3A_396, %get3A_397, %get3A_398] : memref<2x32x80x125xf32, #tpu.memory_space<vmem>>, vector<1x1x80x125xf32>
    %get3A_400 = vector.shape_cast %get3A_399 : vector<1x1x80x125xf32> to vector<80x125xf32>
    %add3A_401 = arith.addf %add3A_394, %get3A_400 : vector<80x125xf32>
    %get3A_402 = arith.constant 1 : index
    %get3A_403 = arith.constant 25 : index
    %get3A_404 = arith.constant 0 : index
    %get3A_405 = arith.constant 0 : index
    %get3A_406 = vector.load %arg0[%get3A_402, %get3A_403, %get3A_404, %get3A_405] : memref<2x32x80x125xf32, #tpu.memory_space<vmem>>, vector<1x1x80x125xf32>
    %get3A_407 = vector.shape_cast %get3A_406 : vector<1x1x80x125xf32> to vector<80x125xf32>
    %add3A_408 = arith.addf %add3A_401, %get3A_407 : vector<80x125xf32>
    %get3A_409 = arith.constant 1 : index
    %get3A_410 = arith.constant 26 : index
    %get3A_411 = arith.constant 0 : index
    %get3A_412 = arith.constant 0 : index
    %get3A_413 = vector.load %arg0[%get3A_409, %get3A_410, %get3A_411, %get3A_412] : memref<2x32x80x125xf32, #tpu.memory_space<vmem>>, vector<1x1x80x125xf32>
    %get3A_414 = vector.shape_cast %get3A_413 : vector<1x1x80x125xf32> to vector<80x125xf32>
    %add3A_415 = arith.addf %add3A_408, %get3A_414 : vector<80x125xf32>
    %get3A_416 = arith.constant 1 : index
    %get3A_417 = arith.constant 27 : index
    %get3A_418 = arith.constant 0 : index
    %get3A_419 = arith.constant 0 : index
    %get3A_420 = vector.load %arg0[%get3A_416, %get3A_417, %get3A_418, %get3A_419] : memref<2x32x80x125xf32, #tpu.memory_space<vmem>>, vector<1x1x80x125xf32>
    %get3A_421 = vector.shape_cast %get3A_420 : vector<1x1x80x125xf32> to vector<80x125xf32>
    %add3A_422 = arith.addf %add3A_415, %get3A_421 : vector<80x125xf32>
    %get3A_423 = arith.constant 1 : index
    %get3A_424 = arith.constant 28 : index
    %get3A_425 = arith.constant 0 : index
    %get3A_426 = arith.constant 0 : index
    %get3A_427 = vector.load %arg0[%get3A_423, %get3A_424, %get3A_425, %get3A_426] : memref<2x32x80x125xf32, #tpu.memory_space<vmem>>, vector<1x1x80x125xf32>
    %get3A_428 = vector.shape_cast %get3A_427 : vector<1x1x80x125xf32> to vector<80x125xf32>
    %add3A_429 = arith.addf %add3A_422, %get3A_428 : vector<80x125xf32>
    %get3A_430 = arith.constant 1 : index
    %get3A_431 = arith.constant 29 : index
    %get3A_432 = arith.constant 0 : index
    %get3A_433 = arith.constant 0 : index
    %get3A_434 = vector.load %arg0[%get3A_430, %get3A_431, %get3A_432, %get3A_433] : memref<2x32x80x125xf32, #tpu.memory_space<vmem>>, vector<1x1x80x125xf32>
    %get3A_435 = vector.shape_cast %get3A_434 : vector<1x1x80x125xf32> to vector<80x125xf32>
    %add3A_436 = arith.addf %add3A_429, %get3A_435 : vector<80x125xf32>
    %get3A_437 = arith.constant 1 : index
    %get3A_438 = arith.constant 30 : index
    %get3A_439 = arith.constant 0 : index
    %get3A_440 = arith.constant 0 : index
    %get3A_441 = vector.load %arg0[%get3A_437, %get3A_438, %get3A_439, %get3A_440] : memref<2x32x80x125xf32, #tpu.memory_space<vmem>>, vector<1x1x80x125xf32>
    %get3A_442 = vector.shape_cast %get3A_441 : vector<1x1x80x125xf32> to vector<80x125xf32>
    %add3A_443 = arith.addf %add3A_436, %get3A_442 : vector<80x125xf32>
    %get3A_444 = arith.constant 1 : index
    %get3A_445 = arith.constant 31 : index
    %get3A_446 = arith.constant 0 : index
    %get3A_447 = arith.constant 0 : index
    %get3A_448 = vector.load %arg0[%get3A_444, %get3A_445, %get3A_446, %get3A_447] : memref<2x32x80x125xf32, #tpu.memory_space<vmem>>, vector<1x1x80x125xf32>
    %get3A_449 = vector.shape_cast %get3A_448 : vector<1x1x80x125xf32> to vector<80x125xf32>
    %add3A_450 = arith.addf %add3A_443, %get3A_449 : vector<80x125xf32>
    %gt3A_451 = arith.constant 0.000000e+00 : f32
    %gt3A_452 = vector.broadcast %gt3A_451 : f32 to vector<80x125xf32>
    %gt3A_453 = arith.cmpf ogt, %add3A_450, %gt3A_452 : vector<80x125xf32>
    %rsqrt3A_454 = math.rsqrt %add3A_450 : vector<80x125xf32>
    %jit3A_455 = arith.constant 0.000000e+00 : f32
    %broadcast_in_dim3A_456 = vector.broadcast %jit3A_455 : f32 to vector<80x125xf32>
    %select_n3A_457 = arith.select %gt3A_453, %rsqrt3A_454, %broadcast_in_dim3A_456 : vector<80x125xi1>, vector<80x125xf32>
    %swap3A_458 = arith.constant 1 : index
    %swap3A_459 = arith.constant 0 : index
    %swap3A_460 = arith.constant 0 : index
    %swap3A_461 = vector.load %arg1[%swap3A_458, %swap3A_459, %swap3A_460] : memref<2x80x125xf32, #tpu.memory_space<vmem>>, vector<1x80x125xf32>
    %swap3A_462 = vector.shape_cast %swap3A_461 : vector<1x80x125xf32> to vector<80x125xf32>
    %swap3A_463 = vector.shape_cast %select_n3A_457 : vector<80x125xf32> to vector<1x80x125xf32>
    tpu.vector_store %arg1[%swap3A_458, %swap3A_459, %swap3A_460], %swap3A_463 {strides = array<i32>} : memref<2x80x125xf32, #tpu.memory_space<vmem>>, vector<1x80x125xf32>,
    return
  }
}

module attributes {stable_mosaic.version = 14 : i64} {
  func.func @_mm2_body(%arg0: i32, %arg1: memref<2000x128xf32, #tpu.memory_space<vmem>>, %arg2: memref<128x128xf32, #tpu.memory_space<vmem>>, %arg3: memref<128x128xf32, #tpu.memory_space<vmem>>, %arg4: memref<2000x1xf32, #tpu.memory_space<vmem>>, %arg5: memref<2000x128xf32, #tpu.memory_space<vmem>>, %arg6: memref<2000x128xf32, #tpu.memory_space<vmem>>) attributes {dimension_semantics = [#tpu.dimension_semantics<arbitrary>], iteration_bounds = array<i64: 5>, scalar_prefetch = 0 : i64, scratch_operands = 0 : i64, tpu.core_type = #tpu.core_type<tc>, window_params = [{transform_indices = @transform_0, window_bounds = array<i64: 2000, 128>}, {pipeline_mode = #tpu.pipeline_mode<synchronous>, transform_indices = @transform_1, window_bounds = array<i64: 128, 128>}, {pipeline_mode = #tpu.pipeline_mode<synchronous>, transform_indices = @transform_2, window_bounds = array<i64: 128, 128>}, {transform_indices = @transform_3, window_bounds = array<i64: 2000, 1>}, {transform_indices = @transform_4, window_bounds = array<i64: 2000, 128>}, {transform_indices = @transform_5, window_bounds = array<i64: 2000, 128>}]} {
    %get3A = arith.constant 0 : index
    %get3A_0 = arith.constant 0 : index
    %get3A_1 = vector.load %arg1[%get3A, %get3A_0] : memref<2000x128xf32, #tpu.memory_space<vmem>>, vector<2000x128xf32>
    %convert_element_type3A = arith.truncf %get3A_1 : vector<2000x128xf32> to vector<2000x128xbf16>
    %get3A_2 = arith.constant 0 : index
    %get3A_3 = arith.constant 0 : index
    %get3A_4 = vector.load %arg4[%get3A_2, %get3A_3] : memref<2000x1xf32, #tpu.memory_space<vmem>>, vector<2000x1xf32>
    %get3A_5 = arith.constant 0 : index
    %get3A_6 = arith.constant 0 : index
    %get3A_7 = vector.load %arg2[%get3A_5, %get3A_6] : memref<128x128xf32, #tpu.memory_space<vmem>>, vector<128x128xf32>
    %convert_element_type3A_8 = arith.truncf %get3A_7 : vector<128x128xf32> to vector<128x128xbf16>
    %dot_general3A = arith.constant dense<0.000000e+00> : vector<2000x128xf32>
    %dot_general3A_9 = tpu.matmul %convert_element_type3A, %convert_element_type3A_8, %dot_general3A {dimension_numbers = #tpu.dot_dimension_numbers<[1], [1], [0], [0], [0, 0, 1, 0], [], []>, transpose_lhs_hint = false} : vector<2000x128xbf16>, vector<128x128xbf16>, vector<2000x128xf32> -> vector<2000x128xf32>
    %mul3A = vector.broadcast %get3A_4 : vector<2000x1xf32> to vector<2000x128xf32>
    %mul3A_10 = arith.mulf %mul3A, %dot_general3A_9 : vector<2000x128xf32>
    %swap3A = arith.constant 0 : index
    %swap3A_11 = arith.constant 0 : index
    %swap3A_12 = vector.load %arg5[%swap3A, %swap3A_11] : memref<2000x128xf32, #tpu.memory_space<vmem>>, vector<2000x128xf32>
    tpu.vector_store %arg5[%swap3A, %swap3A_11], %mul3A_10 {strides = array<i32>} : memref<2000x128xf32, #tpu.memory_space<vmem>>, vector<2000x128xf32>,
    %get3A_13 = arith.constant 0 : index
    %get3A_14 = arith.constant 0 : index
    %get3A_15 = vector.load %arg3[%get3A_13, %get3A_14] : memref<128x128xf32, #tpu.memory_space<vmem>>, vector<128x128xf32>
    %convert_element_type3A_16 = arith.truncf %get3A_15 : vector<128x128xf32> to vector<128x128xbf16>
    %dot_general3A_17 = arith.constant dense<0.000000e+00> : vector<2000x128xf32>
    %dot_general3A_18 = tpu.matmul %convert_element_type3A, %convert_element_type3A_16, %dot_general3A_17 {dimension_numbers = #tpu.dot_dimension_numbers<[1], [1], [0], [0], [0, 0, 1, 0], [], []>, transpose_lhs_hint = false} : vector<2000x128xbf16>, vector<128x128xbf16>, vector<2000x128xf32> -> vector<2000x128xf32>
    %swap3A_19 = arith.constant 0 : index
    %swap3A_20 = arith.constant 0 : index
    %swap3A_21 = vector.load %arg6[%swap3A_19, %swap3A_20] : memref<2000x128xf32, #tpu.memory_space<vmem>>, vector<2000x128xf32>
    tpu.vector_store %arg6[%swap3A_19, %swap3A_20], %dot_general3A_18 {strides = array<i32>} : memref<2000x128xf32, #tpu.memory_space<vmem>>, vector<2000x128xf32>,
    return
  }
  func.func @transform_0(%arg0: i32) -> (i32, i32) {
    %c0_i32 = arith.constant 0 : i32
    %c0_i32_0 = arith.constant 0 : i32
    return %arg0, %c0_i32 : i32, i32
  }
  func.func @transform_1(%arg0: i32) -> (i32, i32) {
    %c0_i32 = arith.constant 0 : i32
    %c0_i32_0 = arith.constant 0 : i32
    %c0_i32_1 = arith.constant 0 : i32
    return %c0_i32, %c0_i32_0 : i32, i32
  }
  func.func @transform_2(%arg0: i32) -> (i32, i32) {
    %c0_i32 = arith.constant 0 : i32
    %c0_i32_0 = arith.constant 0 : i32
    %c0_i32_1 = arith.constant 0 : i32
    return %c0_i32, %c0_i32_0 : i32, i32
  }
  func.func @transform_3(%arg0: i32) -> (i32, i32) {
    %c0_i32 = arith.constant 0 : i32
    %c0_i32_0 = arith.constant 0 : i32
    return %arg0, %c0_i32 : i32, i32
  }
  func.func @transform_4(%arg0: i32) -> (i32, i32) {
    %c0_i32 = arith.constant 0 : i32
    %c0_i32_0 = arith.constant 0 : i32
    return %arg0, %c0_i32 : i32, i32
  }
  func.func @transform_5(%arg0: i32) -> (i32, i32) {
    %c0_i32 = arith.constant 0 : i32
    %c0_i32_0 = arith.constant 0 : i32
    return %arg0, %c0_i32 : i32, i32
  }
}

module attributes {stable_mosaic.version = 14 : i64} {
  func.func @_layer2_body(%arg0: i32, %arg1: memref<2x2000x128xf32, #tpu.memory_space<vmem>>, %arg2: memref<2000x1xf32, #tpu.memory_space<vmem>>, %arg3: memref<2000x1xf32, #tpu.memory_space<vmem>>, %arg4: memref<2000x128xf32, #tpu.memory_space<vmem>>, %arg5: memref<128x128xf32, #tpu.memory_space<vmem>>, %arg6: memref<128x128xf32, #tpu.memory_space<vmem>>, %arg7: memref<2000x128xf32, #tpu.memory_space<vmem>>, %arg8: memref<2000x128xf32, #tpu.memory_space<vmem>>) attributes {dimension_semantics = [#tpu.dimension_semantics<arbitrary>], iteration_bounds = array<i64: 5>, scalar_prefetch = 0 : i64, scratch_operands = 0 : i64, tpu.core_type = #tpu.core_type<tc>, window_params = [{transform_indices = @transform_0, window_bounds = array<i64: 2, 2000, 128>}, {transform_indices = @transform_1, window_bounds = array<i64: 2000, 1>}, {transform_indices = @transform_2, window_bounds = array<i64: 2000, 1>}, {transform_indices = @transform_3, window_bounds = array<i64: 2000, 128>}, {pipeline_mode = #tpu.pipeline_mode<synchronous>, transform_indices = @transform_4, window_bounds = array<i64: 128, 128>}, {pipeline_mode = #tpu.pipeline_mode<synchronous>, transform_indices = @transform_5, window_bounds = array<i64: 128, 128>}, {transform_indices = @transform_6, window_bounds = array<i64: 2000, 128>}, {transform_indices = @transform_7, window_bounds = array<i64: 2000, 128>}]} {
    %get3A = arith.constant 0 : index
    %get3A_0 = arith.constant 0 : index
    %get3A_1 = vector.load %arg2[%get3A, %get3A_0] : memref<2000x1xf32, #tpu.memory_space<vmem>>, vector<2000x1xf32>
    %get3A_2 = arith.constant 0 : index
    %get3A_3 = arith.constant 0 : index
    %get3A_4 = arith.constant 0 : index
    %get3A_5 = vector.load %arg1[%get3A_2, %get3A_3, %get3A_4] : memref<2x2000x128xf32, #tpu.memory_space<vmem>>, vector<1x2000x128xf32>
    %get3A_6 = vector.shape_cast %get3A_5 : vector<1x2000x128xf32> to vector<2000x128xf32>
    %get3A_7 = arith.constant 1 : index
    %get3A_8 = arith.constant 0 : index
    %get3A_9 = arith.constant 0 : index
    %get3A_10 = vector.load %arg1[%get3A_7, %get3A_8, %get3A_9] : memref<2x2000x128xf32, #tpu.memory_space<vmem>>, vector<1x2000x128xf32>
    %get3A_11 = vector.shape_cast %get3A_10 : vector<1x2000x128xf32> to vector<2000x128xf32>
    %add3A = arith.addf %get3A_6, %get3A_11 : vector<2000x128xf32>
    %mul3A = vector.broadcast %get3A_1 : vector<2000x1xf32> to vector<2000x128xf32>
    %mul3A_12 = arith.mulf %mul3A, %add3A : vector<2000x128xf32>
    %get3A_13 = arith.constant 0 : index
    %get3A_14 = arith.constant 0 : index
    %get3A_15 = vector.load %arg4[%get3A_13, %get3A_14] : memref<2000x128xf32, #tpu.memory_space<vmem>>, vector<2000x128xf32>
    %add3A_16 = arith.addf %mul3A_12, %get3A_15 : vector<2000x128xf32>
    %max3A = arith.constant 0.000000e+00 : f32
    %max3A_17 = vector.broadcast %max3A : f32 to vector<2000x128xf32>
    %max3A_18 = arith.maximumf %add3A_16, %max3A_17 : vector<2000x128xf32>
    %convert_element_type3A = arith.truncf %max3A_18 : vector<2000x128xf32> to vector<2000x128xbf16>
    %get3A_19 = arith.constant 0 : index
    %get3A_20 = arith.constant 0 : index
    %get3A_21 = vector.load %arg3[%get3A_19, %get3A_20] : memref<2000x1xf32, #tpu.memory_space<vmem>>, vector<2000x1xf32>
    %get3A_22 = arith.constant 0 : index
    %get3A_23 = arith.constant 0 : index
    %get3A_24 = vector.load %arg5[%get3A_22, %get3A_23] : memref<128x128xf32, #tpu.memory_space<vmem>>, vector<128x128xf32>
    %convert_element_type3A_25 = arith.truncf %get3A_24 : vector<128x128xf32> to vector<128x128xbf16>
    %dot_general3A = arith.constant dense<0.000000e+00> : vector<2000x128xf32>
    %dot_general3A_26 = tpu.matmul %convert_element_type3A, %convert_element_type3A_25, %dot_general3A {dimension_numbers = #tpu.dot_dimension_numbers<[1], [1], [0], [0], [0, 0, 1, 0], [], []>, transpose_lhs_hint = false} : vector<2000x128xbf16>, vector<128x128xbf16>, vector<2000x128xf32> -> vector<2000x128xf32>
    %mul3A_27 = vector.broadcast %get3A_21 : vector<2000x1xf32> to vector<2000x128xf32>
    %mul3A_28 = arith.mulf %mul3A_27, %dot_general3A_26 : vector<2000x128xf32>
    %swap3A = arith.constant 0 : index
    %swap3A_29 = arith.constant 0 : index
    %swap3A_30 = vector.load %arg7[%swap3A, %swap3A_29] : memref<2000x128xf32, #tpu.memory_space<vmem>>, vector<2000x128xf32>
    tpu.vector_store %arg7[%swap3A, %swap3A_29], %mul3A_28 {strides = array<i32>} : memref<2000x128xf32, #tpu.memory_space<vmem>>, vector<2000x128xf32>,
    %get3A_31 = arith.constant 0 : index
    %get3A_32 = arith.constant 0 : index
    %get3A_33 = vector.load %arg6[%get3A_31, %get3A_32] : memref<128x128xf32, #tpu.memory_space<vmem>>, vector<128x128xf32>
    %convert_element_type3A_34 = arith.truncf %get3A_33 : vector<128x128xf32> to vector<128x128xbf16>
    %dot_general3A_35 = arith.constant dense<0.000000e+00> : vector<2000x128xf32>
    %dot_general3A_36 = tpu.matmul %convert_element_type3A, %convert_element_type3A_34, %dot_general3A_35 {dimension_numbers = #tpu.dot_dimension_numbers<[1], [1], [0], [0], [0, 0, 1, 0], [], []>, transpose_lhs_hint = false} : vector<2000x128xbf16>, vector<128x128xbf16>, vector<2000x128xf32> -> vector<2000x128xf32>
    %swap3A_37 = arith.constant 0 : index
    %swap3A_38 = arith.constant 0 : index
    %swap3A_39 = vector.load %arg8[%swap3A_37, %swap3A_38] : memref<2000x128xf32, #tpu.memory_space<vmem>>, vector<2000x128xf32>
    tpu.vector_store %arg8[%swap3A_37, %swap3A_38], %dot_general3A_36 {strides = array<i32>} : memref<2000x128xf32, #tpu.memory_space<vmem>>, vector<2000x128xf32>,
    return
  }
  func.func @transform_0(%arg0: i32) -> (i32, i32, i32) {
    %c0_i32 = arith.constant 0 : i32
    %c0_i32_0 = arith.constant 0 : i32
    %c0_i32_1 = arith.constant 0 : i32
    return %c0_i32, %arg0, %c0_i32_0 : i32, i32, i32
  }
  func.func @transform_1(%arg0: i32) -> (i32, i32) {
    %c0_i32 = arith.constant 0 : i32
    %c0_i32_0 = arith.constant 0 : i32
    return %arg0, %c0_i32 : i32, i32
  }
  func.func @transform_2(%arg0: i32) -> (i32, i32) {
    %c0_i32 = arith.constant 0 : i32
    %c0_i32_0 = arith.constant 0 : i32
    return %arg0, %c0_i32 : i32, i32
  }
  func.func @transform_3(%arg0: i32) -> (i32, i32) {
    %c0_i32 = arith.constant 0 : i32
    %c0_i32_0 = arith.constant 0 : i32
    return %arg0, %c0_i32 : i32, i32
  }
  func.func @transform_4(%arg0: i32) -> (i32, i32) {
    %c0_i32 = arith.constant 0 : i32
    %c0_i32_0 = arith.constant 0 : i32
    %c0_i32_1 = arith.constant 0 : i32
    return %c0_i32, %c0_i32_0 : i32, i32
  }
  func.func @transform_5(%arg0: i32) -> (i32, i32) {
    %c0_i32 = arith.constant 0 : i32
    %c0_i32_0 = arith.constant 0 : i32
    %c0_i32_1 = arith.constant 0 : i32
    return %c0_i32, %c0_i32_0 : i32, i32
  }
  func.func @transform_6(%arg0: i32) -> (i32, i32) {
    %c0_i32 = arith.constant 0 : i32
    %c0_i32_0 = arith.constant 0 : i32
    return %arg0, %c0_i32 : i32, i32
  }
  func.func @transform_7(%arg0: i32) -> (i32, i32) {
    %c0_i32 = arith.constant 0 : i32
    %c0_i32_0 = arith.constant 0 : i32
    return %arg0, %c0_i32 : i32, i32
  }
}

module attributes {stable_mosaic.version = 14 : i64} {
  func.func @_final_body(%arg0: i32, %arg1: memref<2x2000x128xf32, #tpu.memory_space<vmem>>, %arg2: memref<2000x1xf32, #tpu.memory_space<vmem>>, %arg3: memref<2000x128xf32, #tpu.memory_space<vmem>>, %arg4: memref<2000x128xf32, #tpu.memory_space<vmem>>) attributes {dimension_semantics = [#tpu.dimension_semantics<arbitrary>], iteration_bounds = array<i64: 5>, scalar_prefetch = 0 : i64, scratch_operands = 0 : i64, tpu.core_type = #tpu.core_type<tc>, window_params = [{transform_indices = @transform_0, window_bounds = array<i64: 2, 2000, 128>}, {transform_indices = @transform_1, window_bounds = array<i64: 2000, 1>}, {transform_indices = @transform_2, window_bounds = array<i64: 2000, 128>}, {transform_indices = @transform_3, window_bounds = array<i64: 2000, 128>}]} {
    %get3A = arith.constant 0 : index
    %get3A_0 = arith.constant 0 : index
    %get3A_1 = vector.load %arg2[%get3A, %get3A_0] : memref<2000x1xf32, #tpu.memory_space<vmem>>, vector<2000x1xf32>
    %get3A_2 = arith.constant 0 : index
    %get3A_3 = arith.constant 0 : index
    %get3A_4 = arith.constant 0 : index
    %get3A_5 = vector.load %arg1[%get3A_2, %get3A_3, %get3A_4] : memref<2x2000x128xf32, #tpu.memory_space<vmem>>, vector<1x2000x128xf32>
    %get3A_6 = vector.shape_cast %get3A_5 : vector<1x2000x128xf32> to vector<2000x128xf32>
    %get3A_7 = arith.constant 1 : index
    %get3A_8 = arith.constant 0 : index
    %get3A_9 = arith.constant 0 : index
    %get3A_10 = vector.load %arg1[%get3A_7, %get3A_8, %get3A_9] : memref<2x2000x128xf32, #tpu.memory_space<vmem>>, vector<1x2000x128xf32>
    %get3A_11 = vector.shape_cast %get3A_10 : vector<1x2000x128xf32> to vector<2000x128xf32>
    %add3A = arith.addf %get3A_6, %get3A_11 : vector<2000x128xf32>
    %mul3A = vector.broadcast %get3A_1 : vector<2000x1xf32> to vector<2000x128xf32>
    %mul3A_12 = arith.mulf %mul3A, %add3A : vector<2000x128xf32>
    %get3A_13 = arith.constant 0 : index
    %get3A_14 = arith.constant 0 : index
    %get3A_15 = vector.load %arg3[%get3A_13, %get3A_14] : memref<2000x128xf32, #tpu.memory_space<vmem>>, vector<2000x128xf32>
    %add3A_16 = arith.addf %mul3A_12, %get3A_15 : vector<2000x128xf32>
    %swap3A = arith.constant 0 : index
    %swap3A_17 = arith.constant 0 : index
    %swap3A_18 = vector.load %arg4[%swap3A, %swap3A_17] : memref<2000x128xf32, #tpu.memory_space<vmem>>, vector<2000x128xf32>
    tpu.vector_store %arg4[%swap3A, %swap3A_17], %add3A_16 {strides = array<i32>} : memref<2000x128xf32, #tpu.memory_space<vmem>>, vector<2000x128xf32>,
    return
  }
  func.func @transform_0(%arg0: i32) -> (i32, i32, i32) {
    %c0_i32 = arith.constant 0 : i32
    %c0_i32_0 = arith.constant 0 : i32
    %c0_i32_1 = arith.constant 0 : i32
    return %c0_i32, %arg0, %c0_i32_0 : i32, i32, i32
  }
  func.func @transform_1(%arg0: i32) -> (i32, i32) {
    %c0_i32 = arith.constant 0 : i32
    %c0_i32_0 = arith.constant 0 : i32
    return %arg0, %c0_i32 : i32, i32
  }
  func.func @transform_2(%arg0: i32) -> (i32, i32) {
    %c0_i32 = arith.constant 0 : i32
    %c0_i32_0 = arith.constant 0 : i32
    return %arg0, %c0_i32 : i32, i32
  }
  func.func @transform_3(%arg0: i32) -> (i32, i32) {
    %c0_i32 = arith.constant 0 : i32
    %c0_i32_0 = arith.constant 0 : i32
    return %arg0, %c0_i32 : i32, i32
  }
}

</mosaic_0001>

<sc_bundles>
// kernel: kernel.12.cloned.1.call-start
scs
__scs_entry_jumppad:
0x0: {  	(pc) =	sbr.rel $0x88, $3  }
0x1: {  	(tag) =	ssettag $0x0;
	lr =	simm.s32 $0x1  }
0x2: {  	[smem:$0x3F97] =	sst lr;
	_ =	strace $0xD0000000  }
0x3: {  	_ = 	snop  }
0x4: {  	_ = 	snop  }
0x5: {  	_ = 	snop  }
0x6: {  	_ = 	snop  }
0x7: {  	_ = 	snop  }
__scs_overlays_trampoline_lowered:
0x8: {  	[smem:$0x3FA6] =	sst s0  }
0x9: {  	[smem:$0x3FA7] =	sst s1  }
0xa: {  	[smem:$0x3FA8] =	sst s2  }
0xb: {  	[smem:$0x3FA9] =	sst s3  }
0xc: {  	[smem:$0x3FAA] =	sst s4  }
0xd: {  	[smem:$0x3FAB] =	sst s5  }
0xe: {  	[smem:$0x3FAC] =	sst s6  }
0xf: {  	[smem:$0x3FAD] =	sst s7  }
0x10: {  	[smem:$0x3FAE] =	sst s8  }
0x11: {  	[smem:$0x3FAF] =	sst s9;
	s0 =	simm.s32 @!p0 $0x0  }
0x12: {  	s1 =	sld [smem:$0x3F95];
	s0 =	simm.s32 @p0 $0x1  }
0x13: {  	[smem:$0x3FB0] =	sst s0;
	s0 =	simm.s32 @!p1 $0x0  }
0x14: {  	s2 =	sld [smem:$0x3F94];
	s0 =	simm.s32 @p1 $0x1  }
0x15: {  	[smem:$0x3FB1] =	sst s0;
	s0 =	simm.s32 @!p2 $0x0  }
0x16: {  	s3 =	sld [smem:$0x3FDB];
	s0 =	simm.s32 @p2 $0x1  }
0x17: {  	s4 =	simm.s32 $0x1BF5;
	[smem:$0x3FB3] =	sst s0  }
0x18: {  	s0 =	sld [smem:$0x3F96];
	_ =	swait.ge [sflag:s4], $0x0  }
0x19: {  	s7 =	sld [smem:$0x3F97]  }
0x1a: {  	s8 =	sadd.s32 $0xFFFFE003, lr  }
0x1b: {  	s9 =	sadd.s32 $0xFFFFFEF7, lr;
	s5 =	simm.s32 $0xFFFFFFFF;
	p2 =	slt.u32 s8, $0xFFFFF086  }
0x1c: {  	p1 =	slt.u32 s9, $0xF7A;
	s5 =	simm.s32 @!p2 $0x0  }
0x1d: {  	s5 =	simm.s32 @p1 $0x1;
	p0 =	seq.s32 s7, s2  }
0x1e: {  	s7 =	smul.u32 @!p0 $0xF7A, s2;
	p2 =	seq.s32 @!p0 s5, $0x0  }
0x1f: {  	s9 =	smul.u32 $0xF7A, s1;
	s8 =	simm.s32 @!p0 $0x1BF5;
	p2 =	por !p2, p0  }
0x20: {  	[sflag:s8] =	ssyncset.s32 @!p0 $0xFFFFF086;
	s6 =	sadd.s32 @!p0 s3, s7;
	s7 =	simm.s32 @!p0 $0x108  }
0x21: {  	s3 =	sadd.s32 s3, s9;
	s6 =	sadd.s32 @!p0 $0x88, s6;
	s7 =	simm.s32 @p2 $0x1082  }
0x22: {  	[simem:s7], [sflag:s8] =	dma.local @!p0 [hbm:s6], $0xF7A  }
0x23: {  	s9 =	sor.u32 $0xD0000000, s2;
	s6 =	simm.s32 $0x108;
	_ =	swait.ge @!p0 [sflag:s8], $0x0  }
0x24: {  	s3 =	sadd.s32 $0x88, s3;
	s6 =	simm.s32 @!p1 $0x1082;
	[sflag:s4] =	ssyncset.s32 $0xFFFFF086  }
0x25: {  	[simem:s6], [sflag:s4] =	dma.local [hbm:s3], $0xF7A  }
0x26: {  	[smem:$0x3F97] =	sst s1;
	(tag) =	ssettag s2;
	_ =	strace s9  }
0x27: {  	s1 =	sld [smem:$0x3FA7]  }
0x28: {  	s2 =	sld [smem:$0x3FA8]  }
0x29: {  	s4 =	sld [smem:$0x3FAA]  }
0x2a: {  	p0 =	seq.s32 s5, $0x0;
	s5 =	sld [smem:$0x3FAB]  }
0x2b: {  	s6 =	sld [smem:$0x3FAC]  }
0x2c: {  	s7 =	sld [smem:$0x3FAD]  }
0x2d: {  	s3 =	simm.s32 $0x108;
	s8 =	sld [smem:$0x3FAE]  }
0x2e: {  	s3 =	simm.s32 @!p0 $0x1082;
	s9 =	sld [smem:$0x3FAF]  }
0x2f: {  	lr =	sadd.s32 s0, s3;
	s0 =	sld [smem:$0x3FA6]  }
0x30: {  	s3 =	sld [smem:$0x3FA9]  }
0x31: {  	[smem:$0x3FB2] =	sst s10  }
0x32: {  	s10 =	sld [smem:$0x3FB0];
	_ =	sdelay $0x3  }
0x33: {  	p0 =	seq.s32 s10, $0x1;
	s10 =	sld [smem:$0x3FB2];
	_ =	sdelay $0x3  }
0x34: {  	[smem:$0x3FB2] =	sst s10  }
0x35: {  	s10 =	sld [smem:$0x3FB1];
	_ =	sdelay $0x3  }
0x36: {  	p1 =	seq.s32 s10, $0x1;
	s10 =	sld [smem:$0x3FB2];
	_ =	sdelay $0x3  }
0x37: {  	[smem:$0x3FB2] =	sst s10  }
0x38: {  	s10 =	sld [smem:$0x3FB3]  }
0x39: {  	_ = 	snop;
	(pc) =	sbr.ind lr, $3  }
0x3a: {  	_ = 	snop  }
0x3b: {  	_ = 	snop  }
0x3c: {  	p2 =	seq.s32 s10, $0x1;
	s10 =	sld [smem:$0x3FB2]  }
0x3d: {  	_ =	shalt  }
0x3e: {  	_ =	shalt  }
0x3f: {  	_ =	shalt  }
0x40: {  	_ =	shalt  }
0x41: {  	_ =	shalt  }
0x42: {  	_ =	shalt  }
0x43: {  	_ =	shalt  }
0x44: {  	_ =	shalt  }
0x45: {  	_ =	shalt  }
0x46: {  	_ =	shalt  }
0x47: {  	_ =	shalt  }
0x48: {  	_ =	shalt  }
0x49: {  	_ =	shalt  }
0x4a: {  	_ =	shalt  }
0x4b: {  	_ =	shalt  }
0x4c: {  	_ =	shalt  }
0x4d: {  	_ =	shalt  }
0x4e: {  	_ =	shalt  }
0x4f: {  	_ =	shalt  }
0x50: {  	_ =	shalt  }
0x51: {  	_ =	shalt  }
0x52: {  	_ =	shalt  }
0x53: {  	_ =	shalt  }
0x54: {  	_ =	shalt  }
0x55: {  	_ =	shalt  }
0x56: {  	_ =	shalt  }
0x57: {  	_ =	shalt  }
0x58: {  	_ =	shalt  }
0x59: {  	_ =	shalt  }
0x5a: {  	_ =	shalt  }
0x5b: {  	_ =	shalt  }
0x5c: {  	_ =	shalt  }
0x5d: {  	_ =	shalt  }
0x5e: {  	_ =	shalt  }
0x5f: {  	_ =	shalt  }
0x60: {  	_ =	shalt  }
0x61: {  	_ =	shalt  }
0x62: {  	_ =	shalt  }
0x63: {  	_ =	shalt  }
0x64: {  	_ =	shalt  }
0x65: {  	_ =	shalt  }
0x66: {  	_ =	shalt  }
0x67: {  	_ =	shalt  }
0x68: {  	_ =	shalt  }
0x69: {  	_ =	shalt  }
0x6a: {  	_ =	shalt  }
0x6b: {  	_ =	shalt  }
0x6c: {  	_ =	shalt  }
0x6d: {  	_ =	shalt  }
0x6e: {  	_ =	shalt  }
0x6f: {  	_ =	shalt  }
0x70: {  	_ =	shalt  }
0x71: {  	_ =	shalt  }
0x72: {  	_ =	shalt  }
0x73: {  	_ =	shalt  }
0x74: {  	_ =	shalt  }
0x75: {  	_ =	shalt  }
0x76: {  	_ =	shalt  }
0x77: {  	_ =	shalt  }
0x78: {  	_ =	shalt  }
0x79: {  	_ =	shalt  }
0x7a: {  	_ =	shalt  }
0x7b: {  	_ =	shalt  }
0x7c: {  	_ =	shalt  }
0x7d: {  	_ =	shalt  }
0x7e: {  	_ =	shalt  }
0x7f: {  	_ =	shalt  }
0x80: {  	_ =	shalt  }
0x81: {  	_ =	shalt  }
0x82: {  	_ =	shalt  }
0x83: {  	_ =	shalt  }
0x84: {  	_ =	shalt  }
0x85: {  	_ =	shalt  }
0x86: {  	_ =	shalt  }
0x87: {  	_ =	shalt  }
.Lfunc_end0:
.L_simem_size_0:
called_computation.1_lowered:
.L_overlay_start_0:
0x88: {  	s2 =	sld [smem:$0x3FD9]  }
0x89: {  	s3 =	sld [smem:$0x3FFE];
	_ =	sdelay $0x1  }
0x8a: {  	s1 =	srdreg.scid  }
0x8b: {  	s0 =	sand.u32 $0x1, s1  }
0x8c: {  	s17 =	sshll.u32 s0, $0xA;
	s2 =	sadd.s32 s3, s2  }
0x8d: {  	s2 =	sadd.s32 s2, s17  }
0x8e: {  	[smem:$0x3FBE] =	sst s2  }
0x8f: {  	_ = 	snop  }
0x90: {  	s2 =	sld [smem:$0x3FD0];
	(tm) =	ssettm $0x1  }
0x91: {  	s18 =	sld [smem:$0x3FFB];
	_ =	sdelay $0x3  }
0x92: {  	_ =	strace s18  }
0x93: {  	s3 =	sld [smem:$0x3FFC];
	_ =	sdelay $0x3  }
0x94: {  	_ =	strace s3  }
0x95: {  	s3 =	sld [smem:$0x3FFD];
	_ =	sdelay $0x3  }
0x96: {  	_ =	strace s3  }
0x97: {  	_ =	strace $0x8FFFFFFF  }
0x98: {  	s19 =	sld [smem:$0x3FDB];
	_ =	sdelay $0x1  }
0x99: {  	s4 =	simm.s32 $_scs_section_size  }
0x9a: {  	s5 =	simm.s32 $_size__tile_overlayer_lowered;
	s6 =	simm.s32 $_tile_overlayer_lowered  }
0x9b: {  	s22 =	simm.s32 $0x1BFF;
	s21 =	sshll.u32 s6, $0x1;
	s3 =	sadd.s32 s4, s19  }
0x9c: {  	s7 =	simm.s32 $0x0;
	s20 =	sshll.u32 s5, $0x1;
	s5 =	sadd.s32 s21, s3  }
0x9d: {  	[timem:s7], [sflag:s22] =	dma.local [hbm:s5], s20  }
0x9e: {  	_ =	swait.ge [sflag:s22], s20  }
0x9f: {  	s4 =	ssub.s32 $0x0, s20;
	[sflag:s22] =	ssyncset.done $0x0  }
0xa0: {  	[sflag:s22] =	ssyncadd.s32 s4;
	_ =	sdelay $0x1  }
0xa1: {  	s23 =	simm.s32 $0x1B8B  }
0xa2: {  	_ =	swait.ge [sflag:s23], $0x1  }
0xa3: {  	[sflag:s23] =	ssyncset.done $0x0  }
0xa4: {  	s25 =	simm.s32 $0x1B8E;
	s24 =	sld [smem:$0x3FFE];
	[sflag:s23] =	ssyncadd.s32 $0xFFFFFFFF  }
0xa5: {  	s26 =	simm.s32 $execute0_lowered;
	[smem:$0x3FD2] =	sst s25  }
0xa6: {  	s5 =	sshll.u32 s26, $0x1;
	_ =	strace $0x80000049;
	[dreg:$0x1] =	wrdreg $0xFFFFFFFF  }
0xa7: {  	s28 =	simm.s32 $_size_execute0_lowered;
	s3 =	sadd.s32 s3, s5;
	[dreg:$0x0] =	wrdreg $0x0  }
0xa8: {  	s5 =	sshll.u32 s28, $0x1;
	[dreg:$0x2] =	wrdreg s3  }
0xa9: {  	[dreg:$0x3] =	wrdreg s5  }
0xaa: {  	[dreg:$0x4] =	wrdreg $0xC0  }
0xab: {  	_ =	task [dreg:s7], $0x5FFFF  }
0xac: {  	[dreg:$0x1] =	wrdreg $0xFFFFFFFF  }
0xad: {  	[dreg:$0x0] =	wrdreg $0x60  }
0xae: {  	[dreg:$0x2] =	wrdreg s2  }
0xaf: {  	[dreg:$0x3] =	wrdreg s24  }
0xb0: {  	[dreg:$0x4] =	wrdreg $0xA8000  }
0xb1: {  	[dreg:$0x5] =	wrdreg $0x9  }
0xb2: {  	_ =	task.clear_ibuf [dreg:s7], $0x6FFFF;
	_ =	strace $0x90000049  }
0xb3: {  	s29 =	simm.s32 $0x9;
	_ =	strace $0x8000004B  }
0xb4: {  	_ =	swait.ge [sflag:s29], $0x1  }
0xb5: {  	[sflag:s29] =	ssyncadd.s32 $0xFFFFFFFF  }
0xb6: {  	_ =	strace $0x9000004B  }
0xb7: {  	_ =	sfence  }
0xb8: {  	s30 =	sld [smem:$0x0];
	_ =	sdelay $0x2  }
0xb9: {  	s31 =	sshll.u32 s1, $0xD;
	s1 =	sshrl.u32 s1, $0x2  }
0xba: {  	s3 =	sand.u32 $0x4000, s31;
	s1 =	sadd.s32 s1, s30  }
0xbb: {  	s0 =	sor.u32 s3, s0;
	s1 =	sshll.u32 s1, $0x11  }
0xbc: {  	s0 =	sor.u32 s1, s0  }
0xbd: {  	s0 =	sadd.s32 $0x8F2B, s0  }
0xbe: {  	[sflag:s0] =	ssyncadd.remote.s32 $0x1  }
0xbf: {  	_ =	sfence.sel $0xFFFF  }
0xc0: {  	[dreg:$0x0] =	wrdreg $0xFFFFFFFF;
	(pc) =	sbr.abs _section_cstart, $3  }
0xc1: {  	[dreg:$0x1] =	wrdreg $0xFFFFFFFF  }
0xc2: {  	_ =	task.clear_ibuf [dreg:s7], $0x2FFFF;
	_ =	strace $0x9FFFFFFF  }
0xc3: {  	(tm) =	ssettm $0x7FFFFFFF  }
tec
execute0_lowered:
.L_overlay_start_1:
0x0: {  	(tag) =	ssettag $0x1  }
0x1: {  	s0 =	rddreg [dreg:$0x0]  }
0x2: {  	s1 =	rddreg [dreg:$0x1]  }
0x3: {  	s2 =	srdreg.scid;
	s3 =	rddreg [dreg:$0x2]  }
0x4: {  	s8 =	stileid.u32;
	s4 =	simm.s32 $0x0;
	s21 =	simm.s32 $0x2800  }
0x5: {  	s28 =	simm.s32 $0x2;
	s29 =	simm.s32 $0x2780;
	s30 =	simm.s32 $0x1300  }
0x6: {  	s31 =	simm.s32 $0x1380;
	s2 =	sand.u32 $0x1, s2;
	s6 =	smul.u32 $0x13800, s8  }
0x7: {  	[smem:$0x7FF] =	sst s4;
	s19 =	sadd.s32 $0x20200, s1;
	s22 =	smul.u32 $0x4E000, s8  }
0x8: {  	s20 =	sadd.s32 $0x16200, s1;
	s5 =	smul.u32 $0x138800, s2;
	s23 =	ssub.s32 $0x2, s2  }
0x9: {  	_ =	strace $0x8000004A;
	s2 =	sshll.u32 s2, $0x4;
	s7 =	sshrl.u32 s23, $0x1  }
0xa: {  	s2 =	sor.u32 s8, s2;
	s5 =	sadd.s32 s6, s5;
	s6 =	sshrl.u32 s22, $0x2  }
0xb: {  	s7 =	ssub.s32 s23, s7;
	s2 =	smul.u32 $0x2800, s2;
	s22 =	simm.s32 $0x3  }
0xc: {  	s23 =	simm.s32 $0x1400;
	s5 =	sshrl.u32 s5, $0x3;
	s24 =	smax.u32 s7, $0x1  }
0xd: {  	s1 =	sadd.s32 s5, s1;
	s5 =	sadd.s32 s6, s3;
	[dreg:$0x5] =	wrdreg s24  }
0xe: {  	s26 =	sshrl.u32 s2, $0x3;
	s24 =	simm.s32 $0x7D;
	s1 =	sadd.s32 $0x51400, s1  }
0xf: {  	s25 =	sadd.s32 $0x2000, s5;
	s9 =	sadd.s32 $0x4000, s5;
	s10 =	sadd.s32 $0x6000, s5  }
0x10: {  	s11 =	sadd.s32 $0x8000, s5;
	s12 =	sadd.s32 $0xA000, s5;
	s13 =	sadd.s32 $0xC000, s5  }
0x11: {  	s14 =	sadd.s32 $0xE000, s5;
	s15 =	sadd.s32 $0x10000, s5;
	s16 =	sadd.s32 $0x12000, s5  }
0x12: {  	s17 =	sadd.s32 s19, s26;
	s18 =	sadd.s32 s20, s26;
	[dreg:$0x4] =	wrdreg s1  }
0x13: {  	[dreg:$0x6] =	wrdreg s25;
	s1 =	sadd.s32 $0x280, s26;
	s25 =	simm.s32 $0x6800  }
0x14: {  	v0 =	vimm.f32 $0.0e+00;
	s26 =	simm.s32 $0x1;
	s19 =	sadd.s32 s19, s1;
	s20 =	sadd.s32 s20, s1  }
.LBB2_1:
0x15: {  	s1 =	simm.s32 $0x70;
	s2 =	simm.s32 $0x3C0  }
.LBB2_2:
0x16: {  	p0 =	sne.s32 s2, $0xF9C0;
	[tilespmem:s1+$0x2800] =	vst v0  }
0x17: {  	[tilespmem:s1+$0x2790] =	vst v0  }
0x18: {  	[tilespmem:s1+$0x27A0] =	vst v0  }
.Ltmp0:
0x19: {  	[tilespmem:s1+$0x27B0] =	vst v0;
	(pc) =	sbr.rel @p0 .LBB2_2-.Ltmp0, $4  }
0x1a: {  	[tilespmem:s1+$0x27C0] =	vst v0  }
0x1b: {  	[tilespmem:s1+$0x27D0] =	vst v0  }
0x1c: {  	[tilespmem:s1+$0x27E0] =	vst v0  }
0x1d: {  	[tilespmem:s1+$0x27F0] =	vst v0;
	s1 =	sshra.s32 s2, $0x2;
	s2 =	sadd.s32 $0x200, s2  }
0x1e: {  	[tilespmem:s1+$0x2800] =	vst v0  }
0x1f: {  	[tilespmem:s1+$0x2790] =	vst v0  }
0x20: {  	[tilespmem:s1+$0x27A0] =	vst v0  }
0x21: {  	[tilespmem:s1+$0x27B0] =	vst v0  }
0x22: {  	[tilespmem:s1+$0x27C0] =	vst v0  }
0x23: {  	[tilespmem:s1+$0x27D0] =	vst v0  }
0x24: {  	[tilespmem:s1+$0x27E0] =	vst v0  }
0x25: {  	[tilespmem:s1+$0x27F0] =	vst v0  }
0x26: {  	[spmem:s5] =	stream.linear.scatter [tilespmem:s21], [sflag:$0x3], $0x2000, $0x38;
	[tilespmem:$0x1E080] =	vst v63  }
0x27: {  	_ =	swait.ge [sflag:s22], $0x2000  }
0x28: {  	[sflag:s22] =	ssyncset.done $0x0  }
0x29: {  	s7 =	rddreg [dreg:$0x6];
	[sflag:s22] =	ssyncadd.s32 $0xFFFFE000  }
0x2a: {  	[spmem:s7] =	stream.linear.scatter [tilespmem:s21], [sflag:$0x3], $0x2000, $0x38;
	[tilespmem:$0x1E080] =	vst v63  }
0x2b: {  	_ =	swait.ge [sflag:s22], $0x2000  }
0x2c: {  	[sflag:s22] =	ssyncset.done $0x0  }
0x2d: {  	[sflag:s22] =	ssyncadd.s32 $0xFFFFE000  }
0x2e: {  	[spmem:s9] =	stream.linear.scatter [tilespmem:s21], [sflag:$0x3], $0x2000, $0x38;
	[tilespmem:$0x1E080] =	vst v63  }
0x2f: {  	_ =	swait.ge [sflag:s22], $0x2000  }
0x30: {  	[sflag:s22] =	ssyncset.done $0x0  }
0x31: {  	[sflag:s22] =	ssyncadd.s32 $0xFFFFE000  }
0x32: {  	[spmem:s10] =	stream.linear.scatter [tilespmem:s21], [sflag:$0x3], $0x2000, $0x38;
	[tilespmem:$0x1E080] =	vst v63  }
0x33: {  	_ =	swait.ge [sflag:s22], $0x2000  }
0x34: {  	[sflag:s22] =	ssyncset.done $0x0  }
0x35: {  	[sflag:s22] =	ssyncadd.s32 $0xFFFFE000  }
0x36: {  	[spmem:s11] =	stream.linear.scatter [tilespmem:s21], [sflag:$0x3], $0x2000, $0x38;
	[tilespmem:$0x1E080] =	vst v63  }
0x37: {  	_ =	swait.ge [sflag:s22], $0x2000  }
0x38: {  	[sflag:s22] =	ssyncset.done $0x0  }
0x39: {  	[sflag:s22] =	ssyncadd.s32 $0xFFFFE000  }
0x3a: {  	[spmem:s12] =	stream.linear.scatter [tilespmem:s21], [sflag:$0x3], $0x2000, $0x38;
	[tilespmem:$0x1E080] =	vst v63  }
0x3b: {  	_ =	swait.ge [sflag:s22], $0x2000  }
0x3c: {  	[sflag:s22] =	ssyncset.done $0x0  }
0x3d: {  	[sflag:s22] =	ssyncadd.s32 $0xFFFFE000  }
0x3e: {  	[spmem:s13] =	stream.linear.scatter [tilespmem:s21], [sflag:$0x3], $0x2000, $0x38;
	[tilespmem:$0x1E080] =	vst v63  }
0x3f: {  	_ =	swait.ge [sflag:s22], $0x2000  }
0x40: {  	[sflag:s22] =	ssyncset.done $0x0  }
0x41: {  	[sflag:s22] =	ssyncadd.s32 $0xFFFFE000  }
0x42: {  	[spmem:s14] =	stream.linear.scatter [tilespmem:s21], [sflag:$0x3], $0x2000, $0x38;
	[tilespmem:$0x1E080] =	vst v63  }
0x43: {  	_ =	swait.ge [sflag:s22], $0x2000  }
0x44: {  	[sflag:s22] =	ssyncset.done $0x0  }
0x45: {  	[sflag:s22] =	ssyncadd.s32 $0xFFFFE000  }
0x46: {  	[spmem:s15] =	stream.linear.scatter [tilespmem:s21], [sflag:$0x3], $0x2000, $0x38;
	[tilespmem:$0x1E080] =	vst v63  }
0x47: {  	_ =	swait.ge [sflag:s22], $0x2000  }
0x48: {  	[sflag:s22] =	ssyncset.done $0x0  }
0x49: {  	[sflag:s22] =	ssyncadd.s32 $0xFFFFE000  }
0x4a: {  	[spmem:s16] =	stream.linear.scatter [tilespmem:s21], [sflag:$0x3], $0x2000, $0x38;
	[tilespmem:$0x1E080] =	vst v63  }
0x4b: {  	_ =	swait.ge [sflag:s22], $0x2000  }
0x4c: {  	[sflag:s22] =	ssyncset.done $0x0  }
0x4d: {  	[sflag:s22] =	ssyncadd.s32 $0xFFFFE000  }
0x4e: {  	s8 =	simm.s32 $0x0;
	[bflag:$0x0] =	sbarrier.arrive $0xFFFF  }
0x4f: {  	[tilespmem:s8], [sflag:$0x3] =	stream.linear.gather [hbm4b:s17+s8], $0x1400, $0x38;
	[tilespmem:$0x1E080] =	vst v63  }
0x50: {  	_ =	swait.ge [sflag:s22], $0x1400  }
0x51: {  	[sflag:s22] =	ssyncset.done $0x0  }
0x52: {  	[sflag:s22] =	ssyncadd.s32 $0xFFFFEC00  }
0x53: {  	[tilespmem:s23], [sflag:$0x3] =	stream.linear.gather [hbm4b:s18+s8], $0x1400, $0x38;
	[tilespmem:$0x1E080] =	vst v63  }
0x54: {  	_ =	swait.ge [sflag:s22], $0x1400  }
0x55: {  	[sflag:s22] =	ssyncset.done $0x0  }
0x56: {  	[sflag:s22] =	ssyncadd.s32 $0xFFFFEC00  }
0x57: {  	[tilespmem:s21], [sflag:$0x1] =	stream.indirect.gather [hbm4b:s0+s24], $0x80, s23, s24, $0xb8;
	[tilespmem:$0x1E080] =	vst v63  }
0x58: {  	s2 =	simm.s32 $0x1480  }
0x59: {  	[tilespmem:s25], [sflag:$0x2] =	stream.indirect.gather [hbm4b:s0+s24], $0x80, s2, s24, $0xb8;
	[tilespmem:$0x1E080] =	vst v63  }
0x5a: {  	_ =	swait.ge [sflag:s26], $0x3E80  }
0x5b: {  	[sflag:s26] =	ssyncset.done $0x0  }
0x5c: {  	s6 =	simm.s32 $0x0;
	[sflag:s26] =	ssyncadd.s32 $0xFFFFC180  }
0x5d: {  	[spmem:s3] =	stream.indirect.scatter.add.f32 [tilespmem:s21], [sflag:$0x3], $0x80, s6, s24, $0xb8;
	[tilespmem:$0x1E080] =	vst v63  }
0x5e: {  	_ =	swait.ge [sflag:s22], $0x3E80  }
0x5f: {  	[sflag:s22] =	ssyncset.done $0x0  }
0x60: {  	s7 =	simm.s32 $0x1500;
	[sflag:s22] =	ssyncadd.s32 $0xFFFFC180  }
0x61: {  	[tilespmem:s21], [sflag:$0x1] =	stream.indirect.gather [hbm4b:s0+s24], $0x80, s7, s24, $0xb8;
	[tilespmem:$0x1E080] =	vst v63  }
0x62: {  	_ =	swait.ge [sflag:s28], $0x3E80  }
0x63: {  	[sflag:s28] =	ssyncset.done $0x0  }
0x64: {  	s8 =	simm.s32 $0x80;
	[sflag:s28] =	ssyncadd.s32 $0xFFFFC180  }
0x65: {  	[spmem:s3] =	stream.indirect.scatter.add.f32 [tilespmem:s25], [sflag:$0x3], $0x80, s8, s24, $0xb8;
	[tilespmem:$0x1E080] =	vst v63  }
0x66: {  	_ =	swait.ge [sflag:s22], $0x3E80  }
0x67: {  	s1 =	simm.s32 $0x100;
	s2 =	simm.s32 $0x800;
	[sflag:s22] =	ssyncset.done $0x0  }
.LBB2_4:
0x68: {  	s6 =	sadd.s32 $0x1480, s1  }
0x69: {  	[sflag:s22] =	ssyncadd.s32 $0xFFFFC180;
	s7 =	smov.u32 s2;
	s8 =	sadd.s32 $0x400, s2  }
0x6a: {  	[tilespmem:s25], [sflag:$0x2] =	stream.indirect.gather [hbm4b:s0+s24], $0x80, s6, s24, $0xb8;
	[tilespmem:$0x1E080] =	vst v63  }
0x6b: {  	p0 =	sne.s32 s2, $0x4800;
	_ =	swait.ge [sflag:s26], $0x3E80  }
0x6c: {  	[sflag:s26] =	ssyncset.done $0x0  }
0x6d: {  	[sflag:s26] =	ssyncadd.s32 $0xFFFFC180  }
0x6e: {  	[spmem:s3] =	stream.indirect.scatter.add.f32 [tilespmem:s21], [sflag:$0x3], $0x80, s1, s24, $0xb8;
	[tilespmem:$0x1E080] =	vst v63  }
0x6f: {  	_ =	swait.ge [sflag:s22], $0x3E80  }
0x70: {  	[sflag:s22] =	ssyncset.done $0x0  }
0x71: {  	s2 =	sadd.s32 $0x1500, s1;
	[sflag:s22] =	ssyncadd.s32 $0xFFFFC180  }
0x72: {  	[tilespmem:s21], [sflag:$0x1] =	stream.indirect.gather [hbm4b:s0+s24], $0x80, s2, s24, $0xb8;
	[tilespmem:$0x1E080] =	vst v63  }
0x73: {  	_ =	swait.ge [sflag:s28], $0x3E80  }
.Ltmp1:
0x74: {  	[sflag:s28] =	ssyncset.done $0x0;
	(pc) =	sbr.rel @p0 .LBB2_4-.Ltmp1, $4  }
0x75: {  	s1 =	sadd.s32 $0x80, s1;
	[sflag:s28] =	ssyncadd.s32 $0xFFFFC180  }
0x76: {  	[spmem:s3] =	stream.indirect.scatter.add.f32 [tilespmem:s25], [sflag:$0x3], $0x80, s1, s24, $0xb8;
	[tilespmem:$0x1E080] =	vst v63  }
0x77: {  	_ =	swait.ge [sflag:s22], $0x3E80  }
0x78: {  	s2 =	smov.u32 s8;
	s1 =	sshra.s32 s7, $0x2;
	[sflag:s22] =	ssyncset.done $0x0  }
0x79: {  	s2 =	sadd.s32 $0x1480, s1;
	[sflag:s22] =	ssyncadd.s32 $0xFFFFC180  }
0x7a: {  	[tilespmem:s25], [sflag:$0x2] =	stream.indirect.gather [hbm4b:s0+s24], $0x80, s2, s24, $0xb8;
	[tilespmem:$0x1E080] =	vst v63  }
0x7b: {  	_ =	swait.ge [sflag:s26], $0x3E80  }
0x7c: {  	[sflag:s26] =	ssyncset.done $0x0  }
0x7d: {  	[sflag:s26] =	ssyncadd.s32 $0xFFFFC180  }
0x7e: {  	[spmem:s3] =	stream.indirect.scatter.add.f32 [tilespmem:s21], [sflag:$0x3], $0x80, s1, s24, $0xb8;
	[tilespmem:$0x1E080] =	vst v63  }
0x7f: {  	_ =	swait.ge [sflag:s22], $0x3E80  }
0x80: {  	[sflag:s22] =	ssyncset.done $0x0  }
0x81: {  	s6 =	sadd.s32 $0x1500, s1;
	[sflag:s22] =	ssyncadd.s32 $0xFFFFC180  }
0x82: {  	[tilespmem:s21], [sflag:$0x1] =	stream.indirect.gather [hbm4b:s0+s24], $0x80, s6, s24, $0xb8;
	[tilespmem:$0x1E080] =	vst v63  }
0x83: {  	_ =	swait.ge [sflag:s28], $0x3E80  }
0x84: {  	[sflag:s28] =	ssyncset.done $0x0  }
0x85: {  	s7 =	sadd.s32 $0x80, s1;
	[sflag:s28] =	ssyncadd.s32 $0xFFFFC180  }
0x86: {  	[spmem:s3] =	stream.indirect.scatter.add.f32 [tilespmem:s25], [sflag:$0x3], $0x80, s7, s24, $0xb8;
	[tilespmem:$0x1E080] =	vst v63  }
0x87: {  	_ =	swait.ge [sflag:s22], $0x3E80  }
0x88: {  	[sflag:s22] =	ssyncset.done $0x0  }
0x89: {  	[sflag:s22] =	ssyncadd.s32 $0xFFFFC180  }
0x8a: {  	[tilespmem:s25], [sflag:$0x2] =	stream.indirect.gather [hbm4b:s0+s24], $0x80, s29, s24, $0xb8;
	[tilespmem:$0x1E080] =	vst v63  }
0x8b: {  	_ =	swait.ge [sflag:s26], $0x3E80  }
0x8c: {  	[sflag:s26] =	ssyncset.done $0x0  }
0x8d: {  	[sflag:s26] =	ssyncadd.s32 $0xFFFFC180  }
0x8e: {  	[spmem:s3] =	stream.indirect.scatter.add.f32 [tilespmem:s21], [sflag:$0x3], $0x80, s30, s24, $0xb8;
	[tilespmem:$0x1E080] =	vst v63  }
0x8f: {  	_ =	swait.ge [sflag:s22], $0x3E80  }
0x90: {  	[sflag:s22] =	ssyncset.done $0x0  }
0x91: {  	[sflag:s22] =	ssyncadd.s32 $0xFFFFC180  }
0x92: {  	_ =	swait.ge [sflag:s28], $0x3E80  }
0x93: {  	[sflag:s28] =	ssyncset.done $0x0  }
0x94: {  	[sflag:s28] =	ssyncadd.s32 $0xFFFFC180  }
0x95: {  	[spmem:s3] =	stream.indirect.scatter.add.f32 [tilespmem:s25], [sflag:$0x3], $0x80, s31, s24, $0xb8;
	[tilespmem:$0x1E080] =	vst v63  }
0x96: {  	_ =	swait.ge [sflag:s22], $0x3E80  }
0x97: {  	[sflag:s22] =	ssyncset.done $0x0  }
0x98: {  	s8 =	simm.s32 $0x0;
	[sflag:s22] =	ssyncadd.s32 $0xFFFFC180  }
0x99: {  	[tilespmem:s8], [sflag:$0x3] =	stream.linear.gather [hbm4b:s19+s8], $0x1400, $0x38;
	[tilespmem:$0x1E080] =	vst v63  }
0x9a: {  	_ =	swait.ge [sflag:s22], $0x1400  }
0x9b: {  	[sflag:s22] =	ssyncset.done $0x0  }
0x9c: {  	[sflag:s22] =	ssyncadd.s32 $0xFFFFEC00  }
0x9d: {  	[tilespmem:s23], [sflag:$0x3] =	stream.linear.gather [hbm4b:s20+s8], $0x1400, $0x38;
	[tilespmem:$0x1E080] =	vst v63  }
0x9e: {  	_ =	swait.ge [sflag:s22], $0x1400  }
0x9f: {  	[sflag:s22] =	ssyncset.done $0x0  }
0xa0: {  	[sflag:s22] =	ssyncadd.s32 $0xFFFFEC00  }
0xa1: {  	[tilespmem:s21], [sflag:$0x1] =	stream.indirect.gather [hbm4b:s0+s24], $0x80, s23, s24, $0xb8;
	[tilespmem:$0x1E080] =	vst v63  }
0xa2: {  	s2 =	simm.s32 $0x1480  }
0xa3: {  	[tilespmem:s25], [sflag:$0x2] =	stream.indirect.gather [hbm4b:s0+s24], $0x80, s2, s24, $0xb8;
	[tilespmem:$0x1E080] =	vst v63  }
0xa4: {  	_ =	swait.ge [sflag:s26], $0x3E80  }
0xa5: {  	[sflag:s26] =	ssyncset.done $0x0  }
0xa6: {  	s6 =	simm.s32 $0x0;
	[sflag:s26] =	ssyncadd.s32 $0xFFFFC180  }
0xa7: {  	[spmem:s3] =	stream.indirect.scatter.add.f32 [tilespmem:s21], [sflag:$0x3], $0x80, s6, s24, $0xb8;
	[tilespmem:$0x1E080] =	vst v63  }
0xa8: {  	_ =	swait.ge [sflag:s22], $0x3E80  }
0xa9: {  	[sflag:s22] =	ssyncset.done $0x0  }
0xaa: {  	s7 =	simm.s32 $0x1500;
	[sflag:s22] =	ssyncadd.s32 $0xFFFFC180  }
0xab: {  	[tilespmem:s21], [sflag:$0x1] =	stream.indirect.gather [hbm4b:s0+s24], $0x80, s7, s24, $0xb8;
	[tilespmem:$0x1E080] =	vst v63  }
0xac: {  	_ =	swait.ge [sflag:s28], $0x3E80  }
0xad: {  	[sflag:s28] =	ssyncset.done $0x0  }
0xae: {  	s8 =	simm.s32 $0x80;
	[sflag:s28] =	ssyncadd.s32 $0xFFFFC180  }
0xaf: {  	[spmem:s3] =	stream.indirect.scatter.add.f32 [tilespmem:s25], [sflag:$0x3], $0x80, s8, s24, $0xb8;
	[tilespmem:$0x1E080] =	vst v63  }
0xb0: {  	_ =	swait.ge [sflag:s22], $0x3E80  }
0xb1: {  	s1 =	simm.s32 $0x100;
	s2 =	simm.s32 $0x800;
	[sflag:s22] =	ssyncset.done $0x0  }
.LBB2_6:
0xb2: {  	s6 =	sadd.s32 $0x1480, s1  }
0xb3: {  	[sflag:s22] =	ssyncadd.s32 $0xFFFFC180;
	s7 =	smov.u32 s2;
	s8 =	sadd.s32 $0x400, s2  }
0xb4: {  	[tilespmem:s25], [sflag:$0x2] =	stream.indirect.gather [hbm4b:s0+s24], $0x80, s6, s24, $0xb8;
	[tilespmem:$0x1E080] =	vst v63  }
0xb5: {  	p0 =	sne.s32 s2, $0x4800;
	_ =	swait.ge [sflag:s26], $0x3E80  }
0xb6: {  	[sflag:s26] =	ssyncset.done $0x0  }
0xb7: {  	[sflag:s26] =	ssyncadd.s32 $0xFFFFC180  }
0xb8: {  	[spmem:s3] =	stream.indirect.scatter.add.f32 [tilespmem:s21], [sflag:$0x3], $0x80, s1, s24, $0xb8;
	[tilespmem:$0x1E080] =	vst v63  }
0xb9: {  	_ =	swait.ge [sflag:s22], $0x3E80  }
0xba: {  	[sflag:s22] =	ssyncset.done $0x0  }
0xbb: {  	s2 =	sadd.s32 $0x1500, s1;
	[sflag:s22] =	ssyncadd.s32 $0xFFFFC180  }
0xbc: {  	[tilespmem:s21], [sflag:$0x1] =	stream.indirect.gather [hbm4b:s0+s24], $0x80, s2, s24, $0xb8;
	[tilespmem:$0x1E080] =	vst v63  }
0xbd: {  	_ =	swait.ge [sflag:s28], $0x3E80  }
.Ltmp2:
0xbe: {  	[sflag:s28] =	ssyncset.done $0x0;
	(pc) =	sbr.rel @p0 .LBB2_6-.Ltmp2, $4  }
0xbf: {  	s1 =	sadd.s32 $0x80, s1;
	[sflag:s28] =	ssyncadd.s32 $0xFFFFC180  }
0xc0: {  	[spmem:s3] =	stream.indirect.scatter.add.f32 [tilespmem:s25], [sflag:$0x3], $0x80, s1, s24, $0xb8;
	[tilespmem:$0x1E080] =	vst v63  }
0xc1: {  	_ =	swait.ge [sflag:s22], $0x3E80  }
0xc2: {  	s2 =	smov.u32 s8;
	s1 =	sshra.s32 s7, $0x2;
	[sflag:s22] =	ssyncset.done $0x0  }
0xc3: {  	s2 =	sadd.s32 $0x1480, s1;
	[sflag:s22] =	ssyncadd.s32 $0xFFFFC180  }
0xc4: {  	[tilespmem:s25], [sflag:$0x2] =	stream.indirect.gather [hbm4b:s0+s24], $0x80, s2, s24, $0xb8;
	[tilespmem:$0x1E080] =	vst v63  }
0xc5: {  	_ =	swait.ge [sflag:s26], $0x3E80  }
0xc6: {  	[sflag:s26] =	ssyncset.done $0x0  }
0xc7: {  	[sflag:s26] =	ssyncadd.s32 $0xFFFFC180  }
0xc8: {  	[spmem:s3] =	stream.indirect.scatter.add.f32 [tilespmem:s21], [sflag:$0x3], $0x80, s1, s24, $0xb8;
	[tilespmem:$0x1E080] =	vst v63  }
0xc9: {  	_ =	swait.ge [sflag:s22], $0x3E80  }
0xca: {  	[sflag:s22] =	ssyncset.done $0x0  }
0xcb: {  	s8 =	sadd.s32 $0x1500, s1;
	[sflag:s22] =	ssyncadd.s32 $0xFFFFC180  }
0xcc: {  	[tilespmem:s21], [sflag:$0x1] =	stream.indirect.gather [hbm4b:s0+s24], $0x80, s8, s24, $0xb8;
	[tilespmem:$0x1E080] =	vst v63  }
0xcd: {  	_ =	swait.ge [sflag:s28], $0x3E80  }
0xce: {  	[sflag:s28] =	ssyncset.done $0x0  }
0xcf: {  	s2 =	sadd.s32 $0x80, s1;
	[sflag:s28] =	ssyncadd.s32 $0xFFFFC180  }
0xd0: {  	[spmem:s3] =	stream.indirect.scatter.add.f32 [tilespmem:s25], [sflag:$0x3], $0x80, s2, s24, $0xb8;
	[tilespmem:$0x1E080] =	vst v63  }
0xd1: {  	_ =	swait.ge [sflag:s22], $0x3E80  }
0xd2: {  	[sflag:s22] =	ssyncset.done $0x0  }
0xd3: {  	[sflag:s22] =	ssyncadd.s32 $0xFFFFC180  }
0xd4: {  	[tilespmem:s25], [sflag:$0x2] =	stream.indirect.gather [hbm4b:s0+s24], $0x80, s29, s24, $0xb8;
	[tilespmem:$0x1E080] =	vst v63  }
0xd5: {  	_ =	swait.ge [sflag:s26], $0x3E80  }
0xd6: {  	[sflag:s26] =	ssyncset.done $0x0  }
0xd7: {  	[sflag:s26] =	ssyncadd.s32 $0xFFFFC180  }
0xd8: {  	[spmem:s3] =	stream.indirect.scatter.add.f32 [tilespmem:s21], [sflag:$0x3], $0x80, s30, s24, $0xb8;
	[tilespmem:$0x1E080] =	vst v63  }
0xd9: {  	_ =	swait.ge [sflag:s22], $0x3E80  }
0xda: {  	[sflag:s22] =	ssyncset.done $0x0  }
0xdb: {  	[sflag:s22] =	ssyncadd.s32 $0xFFFFC180  }
0xdc: {  	_ =	swait.ge [sflag:s28], $0x3E80  }
0xdd: {  	[sflag:s28] =	ssyncset.done $0x0  }
0xde: {  	[sflag:s28] =	ssyncadd.s32 $0xFFFFC180  }
0xdf: {  	[spmem:s3] =	stream.indirect.scatter.add.f32 [tilespmem:s25], [sflag:$0x3], $0x80, s31, s24, $0xb8;
	[tilespmem:$0x1E080] =	vst v63  }
0xe0: {  	_ =	swait.ge [sflag:s22], $0x3E80  }
0xe1: {  	[sflag:s22] =	ssyncset.done $0x0  }
0xe2: {  	s6 =	stileid.u32;
	[sflag:s22] =	ssyncadd.s32 $0xFFFFC180  }
0xe3: {  	s1 =	sshll.u32 s6, $0x6;
	[bflag:$0x0] =	sbarrier.arrive $0xFFFF  }
0xe4: {  	s7 =	sshrl.u32 s5, $0x3;
	s1 =	sor.u32 $0x1C03, s1;
	s6 =	rddreg [dreg:$0x4]  }
0xe5: {  	[hbm:s6], [sflag:s1] =	dma.local [spmem:s7], $0x2800  }
0xe6: {  	_ =	swait.ge [sflag:s22], $0x2800  }
0xe7: {  	s4 =	sadd.s32 $0x1, s4;
	s8 =	rddreg [dreg:$0x5]  }
0xe8: {  	p0 =	sne.s32 s4, s8  }
.Ltmp3:
0xe9: {  	_ = 	snop;
	(pc) =	sbr.rel @p0 .LBB2_1-.Ltmp3, $3  }
0xea: {  	_ =	sdelay $0x1  }
0xeb: {  	[sflag:s22] =	ssyncset.done $0x0  }
0xec: {  	[sflag:s22] =	ssyncadd.s32 $0xFFFFD800  }
0xed: {  	_ =	sfence.sel $0x180000  }
0xee: {  	[bflag:$0x0] =	sbarrier.arrive $0xFFFF  }
0xef: {  	_ =	strace $0x9000004A  }
0xf0: {  	s0 =	stileid.u32;
	[bflag:$0x2] =	sbarrier.arrive $0xFFFF  }
0xf1: {  	p0 =	sne.s32 s0, $0x0;
	s0 =	rddreg [dreg:$0x3]  }
0xf2: {  	s0 =	sadd.s32 @!p0 $0x100000, s0  }
0xf3: {  	[sflag:s0] =	ssyncadd.tile.s32 @!p0 $0x1;
	_ =	shalt  }
.Lfunc_end2:
_tile_overlayer_lowered:
.L_overlay_start_2:
0xf4: {  	(tag) =	ssettag $0x2  }
0xf5: {  	s0 =	rddreg [dreg:$0x0];
	s2 =	stileid.u32  }
0xf6: {  	s1 =	rddreg [dreg:$0x1];
	p0 =	sne.s32 s2, $0x0  }
0xf7: {  	s3 =	rddreg [dreg:$0x2];
	[bflag:$0x3] =	sbarrier.arrive $0xFFFF;
	s2 =	simm.s32 @!p0 $0x1C03  }
0xf8: {  	[timem:s3], [sflag:s2] =	dma.local @!p0 [hbm:s0], s1  }
0xf9: {  	s0 =	simm.s32 @!p0 $0x3  }
0xfa: {  	_ =	swait.ge @!p0 [sflag:s0], s1  }
0xfb: {  	s1 =	ssub.s32 @!p0 $0x0, s1;
	[sflag:s0] =	ssyncset.done @!p0 $0x0  }
0xfc: {  	[sflag:s0] =	ssyncadd.s32 @!p0 s1  }
0xfd: {  	[bflag:$0x3] =	sbarrier.arrive $0xFFFF  }
0xfe: {  	_ =	shalt  }

// kernel: kernel.15.cloned.1.call-start
scs
__scs_entry_jumppad:
0x0: {  	(pc) =	sbr.rel $0x88, $3  }
0x1: {  	(tag) =	ssettag $0x0;
	lr =	simm.s32 $0x1  }
0x2: {  	[smem:$0x3F97] =	sst lr;
	_ =	strace $0xD0000000  }
0x3: {  	_ = 	snop  }
0x4: {  	_ = 	snop  }
0x5: {  	_ = 	snop  }
0x6: {  	_ = 	snop  }
0x7: {  	_ = 	snop  }
__scs_overlays_trampoline_lowered:
0x8: {  	[smem:$0x3FA6] =	sst s0  }
0x9: {  	[smem:$0x3FA7] =	sst s1  }
0xa: {  	[smem:$0x3FA8] =	sst s2  }
0xb: {  	[smem:$0x3FA9] =	sst s3  }
0xc: {  	[smem:$0x3FAA] =	sst s4  }
0xd: {  	[smem:$0x3FAB] =	sst s5  }
0xe: {  	[smem:$0x3FAC] =	sst s6  }
0xf: {  	[smem:$0x3FAD] =	sst s7  }
0x10: {  	[smem:$0x3FAE] =	sst s8  }
0x11: {  	[smem:$0x3FAF] =	sst s9;
	s0 =	simm.s32 @!p0 $0x0  }
0x12: {  	s1 =	sld [smem:$0x3F95];
	s0 =	simm.s32 @p0 $0x1  }
0x13: {  	[smem:$0x3FB0] =	sst s0;
	s0 =	simm.s32 @!p1 $0x0  }
0x14: {  	s2 =	sld [smem:$0x3F94];
	s0 =	simm.s32 @p1 $0x1  }
0x15: {  	[smem:$0x3FB1] =	sst s0;
	s0 =	simm.s32 @!p2 $0x0  }
0x16: {  	s3 =	sld [smem:$0x3FDB];
	s0 =	simm.s32 @p2 $0x1  }
0x17: {  	s4 =	simm.s32 $0x1BF5;
	[smem:$0x3FB3] =	sst s0  }
0x18: {  	s0 =	sld [smem:$0x3F96];
	_ =	swait.ge [sflag:s4], $0x0  }
0x19: {  	s7 =	sld [smem:$0x3F97]  }
0x1a: {  	s8 =	sadd.s32 $0xFFFFE003, lr  }
0x1b: {  	s9 =	sadd.s32 $0xFFFFFEF7, lr;
	s5 =	simm.s32 $0xFFFFFFFF;
	p2 =	slt.u32 s8, $0xFFFFF086  }
0x1c: {  	p1 =	slt.u32 s9, $0xF7A;
	s5 =	simm.s32 @!p2 $0x0  }
0x1d: {  	s5 =	simm.s32 @p1 $0x1;
	p0 =	seq.s32 s7, s2  }
0x1e: {  	s7 =	smul.u32 @!p0 $0xF7A, s2;
	p2 =	seq.s32 @!p0 s5, $0x0  }
0x1f: {  	s9 =	smul.u32 $0xF7A, s1;
	s8 =	simm.s32 @!p0 $0x1BF5;
	p2 =	por !p2, p0  }
0x20: {  	[sflag:s8] =	ssyncset.s32 @!p0 $0xFFFFF086;
	s6 =	sadd.s32 @!p0 s3, s7;
	s7 =	simm.s32 @!p0 $0x108  }
0x21: {  	s3 =	sadd.s32 s3, s9;
	s6 =	sadd.s32 @!p0 $0x88, s6;
	s7 =	simm.s32 @p2 $0x1082  }
0x22: {  	[simem:s7], [sflag:s8] =	dma.local @!p0 [hbm:s6], $0xF7A  }
0x23: {  	s9 =	sor.u32 $0xD0000000, s2;
	s6 =	simm.s32 $0x108;
	_ =	swait.ge @!p0 [sflag:s8], $0x0  }
0x24: {  	s3 =	sadd.s32 $0x88, s3;
	s6 =	simm.s32 @!p1 $0x1082;
	[sflag:s4] =	ssyncset.s32 $0xFFFFF086  }
0x25: {  	[simem:s6], [sflag:s4] =	dma.local [hbm:s3], $0xF7A  }
0x26: {  	[smem:$0x3F97] =	sst s1;
	(tag) =	ssettag s2;
	_ =	strace s9  }
0x27: {  	s1 =	sld [smem:$0x3FA7]  }
0x28: {  	s2 =	sld [smem:$0x3FA8]  }
0x29: {  	s4 =	sld [smem:$0x3FAA]  }
0x2a: {  	p0 =	seq.s32 s5, $0x0;
	s5 =	sld [smem:$0x3FAB]  }
0x2b: {  	s6 =	sld [smem:$0x3FAC]  }
0x2c: {  	s7 =	sld [smem:$0x3FAD]  }
0x2d: {  	s3 =	simm.s32 $0x108;
	s8 =	sld [smem:$0x3FAE]  }
0x2e: {  	s3 =	simm.s32 @!p0 $0x1082;
	s9 =	sld [smem:$0x3FAF]  }
0x2f: {  	lr =	sadd.s32 s0, s3;
	s0 =	sld [smem:$0x3FA6]  }
0x30: {  	s3 =	sld [smem:$0x3FA9]  }
0x31: {  	[smem:$0x3FB2] =	sst s10  }
0x32: {  	s10 =	sld [smem:$0x3FB0];
	_ =	sdelay $0x3  }
0x33: {  	p0 =	seq.s32 s10, $0x1;
	s10 =	sld [smem:$0x3FB2];
	_ =	sdelay $0x3  }
0x34: {  	[smem:$0x3FB2] =	sst s10  }
0x35: {  	s10 =	sld [smem:$0x3FB1];
	_ =	sdelay $0x3  }
0x36: {  	p1 =	seq.s32 s10, $0x1;
	s10 =	sld [smem:$0x3FB2];
	_ =	sdelay $0x3  }
0x37: {  	[smem:$0x3FB2] =	sst s10  }
0x38: {  	s10 =	sld [smem:$0x3FB3]  }
0x39: {  	_ = 	snop;
	(pc) =	sbr.ind lr, $3  }
0x3a: {  	_ = 	snop  }
0x3b: {  	_ = 	snop  }
0x3c: {  	p2 =	seq.s32 s10, $0x1;
	s10 =	sld [smem:$0x3FB2]  }
0x3d: {  	_ =	shalt  }
0x3e: {  	_ =	shalt  }
0x3f: {  	_ =	shalt  }
0x40: {  	_ =	shalt  }
0x41: {  	_ =	shalt  }
0x42: {  	_ =	shalt  }
0x43: {  	_ =	shalt  }
0x44: {  	_ =	shalt  }
0x45: {  	_ =	shalt  }
0x46: {  	_ =	shalt  }
0x47: {  	_ =	shalt  }
0x48: {  	_ =	shalt  }
0x49: {  	_ =	shalt  }
0x4a: {  	_ =	shalt  }
0x4b: {  	_ =	shalt  }
0x4c: {  	_ =	shalt  }
0x4d: {  	_ =	shalt  }
0x4e: {  	_ =	shalt  }
0x4f: {  	_ =	shalt  }
0x50: {  	_ =	shalt  }
0x51: {  	_ =	shalt  }
0x52: {  	_ =	shalt  }
0x53: {  	_ =	shalt  }
0x54: {  	_ =	shalt  }
0x55: {  	_ =	shalt  }
0x56: {  	_ =	shalt  }
0x57: {  	_ =	shalt  }
0x58: {  	_ =	shalt  }
0x59: {  	_ =	shalt  }
0x5a: {  	_ =	shalt  }
0x5b: {  	_ =	shalt  }
0x5c: {  	_ =	shalt  }
0x5d: {  	_ =	shalt  }
0x5e: {  	_ =	shalt  }
0x5f: {  	_ =	shalt  }
0x60: {  	_ =	shalt  }
0x61: {  	_ =	shalt  }
0x62: {  	_ =	shalt  }
0x63: {  	_ =	shalt  }
0x64: {  	_ =	shalt  }
0x65: {  	_ =	shalt  }
0x66: {  	_ =	shalt  }
0x67: {  	_ =	shalt  }
0x68: {  	_ =	shalt  }
0x69: {  	_ =	shalt  }
0x6a: {  	_ =	shalt  }
0x6b: {  	_ =	shalt  }
0x6c: {  	_ =	shalt  }
0x6d: {  	_ =	shalt  }
0x6e: {  	_ =	shalt  }
0x6f: {  	_ =	shalt  }
0x70: {  	_ =	shalt  }
0x71: {  	_ =	shalt  }
0x72: {  	_ =	shalt  }
0x73: {  	_ =	shalt  }
0x74: {  	_ =	shalt  }
0x75: {  	_ =	shalt  }
0x76: {  	_ =	shalt  }
0x77: {  	_ =	shalt  }
0x78: {  	_ =	shalt  }
0x79: {  	_ =	shalt  }
0x7a: {  	_ =	shalt  }
0x7b: {  	_ =	shalt  }
0x7c: {  	_ =	shalt  }
0x7d: {  	_ =	shalt  }
0x7e: {  	_ =	shalt  }
0x7f: {  	_ =	shalt  }
0x80: {  	_ =	shalt  }
0x81: {  	_ =	shalt  }
0x82: {  	_ =	shalt  }
0x83: {  	_ =	shalt  }
0x84: {  	_ =	shalt  }
0x85: {  	_ =	shalt  }
0x86: {  	_ =	shalt  }
0x87: {  	_ =	shalt  }
.Lfunc_end0:
.L_simem_size_0:
called_computation.2_lowered:
.L_overlay_start_0:
0x88: {  	s2 =	sld [smem:$0x3FD9]  }
0x89: {  	s3 =	sld [smem:$0x3FFE];
	_ =	sdelay $0x1  }
0x8a: {  	s1 =	srdreg.scid  }
0x8b: {  	s0 =	sand.u32 $0x1, s1  }
0x8c: {  	s17 =	sshll.u32 s0, $0xA;
	s2 =	sadd.s32 s3, s2  }
0x8d: {  	s2 =	sadd.s32 s2, s17  }
0x8e: {  	[smem:$0x3FBE] =	sst s2  }
0x8f: {  	_ = 	snop  }
0x90: {  	s2 =	sld [smem:$0x3FD0];
	(tm) =	ssettm $0x1  }
0x91: {  	s18 =	sld [smem:$0x3FFB];
	_ =	sdelay $0x3  }
0x92: {  	_ =	strace s18  }
0x93: {  	s3 =	sld [smem:$0x3FFC];
	_ =	sdelay $0x3  }
0x94: {  	_ =	strace s3  }
0x95: {  	s3 =	sld [smem:$0x3FFD];
	_ =	sdelay $0x3  }
0x96: {  	_ =	strace s3  }
0x97: {  	_ =	strace $0x8FFFFFFF  }
0x98: {  	s19 =	sld [smem:$0x3FDB];
	_ =	sdelay $0x1  }
0x99: {  	s4 =	simm.s32 $_scs_section_size  }
0x9a: {  	s5 =	simm.s32 $_size__tile_overlayer_lowered;
	s6 =	simm.s32 $_tile_overlayer_lowered  }
0x9b: {  	s22 =	simm.s32 $0x1BFF;
	s21 =	sshll.u32 s6, $0x1;
	s3 =	sadd.s32 s4, s19  }
0x9c: {  	s7 =	simm.s32 $0x0;
	s20 =	sshll.u32 s5, $0x1;
	s5 =	sadd.s32 s21, s3  }
0x9d: {  	[timem:s7], [sflag:s22] =	dma.local [hbm:s5], s20  }
0x9e: {  	_ =	swait.ge [sflag:s22], s20  }
0x9f: {  	s4 =	ssub.s32 $0x0, s20;
	[sflag:s22] =	ssyncset.done $0x0  }
0xa0: {  	[sflag:s22] =	ssyncadd.s32 s4;
	_ =	sdelay $0x1  }
0xa1: {  	s23 =	simm.s32 $0x1B8B  }
0xa2: {  	_ =	swait.ge [sflag:s23], $0x1  }
0xa3: {  	[sflag:s23] =	ssyncset.done $0x0  }
0xa4: {  	s25 =	simm.s32 $0x1B8E;
	s24 =	sld [smem:$0x3FFE];
	[sflag:s23] =	ssyncadd.s32 $0xFFFFFFFF  }
0xa5: {  	s26 =	simm.s32 $execute0_lowered;
	[smem:$0x3FD2] =	sst s25  }
0xa6: {  	s5 =	sshll.u32 s26, $0x1;
	_ =	strace $0x8000004C;
	[dreg:$0x1] =	wrdreg $0xFFFFFFFF  }
0xa7: {  	s28 =	simm.s32 $_size_execute0_lowered;
	s3 =	sadd.s32 s3, s5;
	[dreg:$0x0] =	wrdreg $0x0  }
0xa8: {  	s5 =	sshll.u32 s28, $0x1;
	[dreg:$0x2] =	wrdreg s3  }
0xa9: {  	[dreg:$0x3] =	wrdreg s5  }
0xaa: {  	[dreg:$0x4] =	wrdreg $0xC0  }
0xab: {  	_ =	task [dreg:s7], $0x5FFFF  }
0xac: {  	[dreg:$0x1] =	wrdreg $0xFFFFFFFF  }
0xad: {  	[dreg:$0x0] =	wrdreg $0x60  }
0xae: {  	[dreg:$0x2] =	wrdreg s2  }
0xaf: {  	[dreg:$0x3] =	wrdreg s24  }
0xb0: {  	[dreg:$0x4] =	wrdreg $0xA8000  }
0xb1: {  	[dreg:$0x5] =	wrdreg $0x9  }
0xb2: {  	_ =	task.clear_ibuf [dreg:s7], $0x6FFFF;
	_ =	strace $0x9000004C  }
0xb3: {  	s29 =	simm.s32 $0x9;
	_ =	strace $0x8000004E  }
0xb4: {  	_ =	swait.ge [sflag:s29], $0x1  }
0xb5: {  	[sflag:s29] =	ssyncadd.s32 $0xFFFFFFFF  }
0xb6: {  	_ =	strace $0x9000004E  }
0xb7: {  	_ =	sfence  }
0xb8: {  	s30 =	sld [smem:$0x0];
	_ =	sdelay $0x2  }
0xb9: {  	s31 =	sshll.u32 s1, $0xD;
	s1 =	sshrl.u32 s1, $0x2  }
0xba: {  	s3 =	sand.u32 $0x4000, s31;
	s1 =	sadd.s32 s1, s30  }
0xbb: {  	s0 =	sor.u32 s3, s0;
	s1 =	sshll.u32 s1, $0x11  }
0xbc: {  	s0 =	sor.u32 s1, s0  }
0xbd: {  	s0 =	sadd.s32 $0x8F2B, s0  }
0xbe: {  	[sflag:s0] =	ssyncadd.remote.s32 $0x1  }
0xbf: {  	_ =	sfence.sel $0xFFFF  }
0xc0: {  	[dreg:$0x0] =	wrdreg $0xFFFFFFFF;
	(pc) =	sbr.abs _section_cstart, $3  }
0xc1: {  	[dreg:$0x1] =	wrdreg $0xFFFFFFFF  }
0xc2: {  	_ =	task.clear_ibuf [dreg:s7], $0x2FFFF;
	_ =	strace $0x9FFFFFFF  }
0xc3: {  	(tm) =	ssettm $0x7FFFFFFF  }
tec
execute0_lowered:
.L_overlay_start_1:
0x0: {  	(tag) =	ssettag $0x1  }
0x1: {  	s0 =	rddreg [dreg:$0x0]  }
0x2: {  	s1 =	rddreg [dreg:$0x1]  }
0x3: {  	s2 =	srdreg.scid;
	s3 =	rddreg [dreg:$0x2]  }
0x4: {  	s8 =	stileid.u32;
	s4 =	simm.s32 $0x0;
	s21 =	simm.s32 $0x2800  }
0x5: {  	s28 =	simm.s32 $0x2;
	s29 =	simm.s32 $0x2780;
	s30 =	simm.s32 $0x1300  }
0x6: {  	s31 =	simm.s32 $0x1380;
	s2 =	sand.u32 $0x1, s2;
	s6 =	smul.u32 $0x13800, s8  }
0x7: {  	[smem:$0x7FF] =	sst s4;
	s19 =	sadd.s32 $0x20200, s1;
	s22 =	smul.u32 $0x4E000, s8  }
0x8: {  	s20 =	sadd.s32 $0x16200, s1;
	s5 =	smul.u32 $0x138800, s2;
	s23 =	ssub.s32 $0x2, s2  }
0x9: {  	_ =	strace $0x8000004D;
	s2 =	sshll.u32 s2, $0x4;
	s7 =	sshrl.u32 s23, $0x1  }
0xa: {  	s2 =	sor.u32 s8, s2;
	s5 =	sadd.s32 s6, s5;
	s6 =	sshrl.u32 s22, $0x2  }
0xb: {  	s7 =	ssub.s32 s23, s7;
	s2 =	smul.u32 $0x2800, s2;
	s22 =	simm.s32 $0x3  }
0xc: {  	s23 =	simm.s32 $0x1400;
	s5 =	sshrl.u32 s5, $0x3;
	s24 =	smax.u32 s7, $0x1  }
0xd: {  	s1 =	sadd.s32 s5, s1;
	s5 =	sadd.s32 s6, s3;
	[dreg:$0x5] =	wrdreg s24  }
0xe: {  	s26 =	sshrl.u32 s2, $0x3;
	s24 =	simm.s32 $0x7D;
	s1 =	sadd.s32 $0x2A200, s1  }
0xf: {  	s25 =	sadd.s32 $0x2000, s5;
	s9 =	sadd.s32 $0x4000, s5;
	s10 =	sadd.s32 $0x6000, s5  }
0x10: {  	s11 =	sadd.s32 $0x8000, s5;
	s12 =	sadd.s32 $0xA000, s5;
	s13 =	sadd.s32 $0xC000, s5  }
0x11: {  	s14 =	sadd.s32 $0xE000, s5;
	s15 =	sadd.s32 $0x10000, s5;
	s16 =	sadd.s32 $0x12000, s5  }
0x12: {  	s17 =	sadd.s32 s19, s26;
	s18 =	sadd.s32 s20, s26;
	[dreg:$0x4] =	wrdreg s1  }
0x13: {  	[dreg:$0x6] =	wrdreg s25;
	s1 =	sadd.s32 $0x280, s26;
	s25 =	simm.s32 $0x6800  }
0x14: {  	v0 =	vimm.f32 $0.0e+00;
	s26 =	simm.s32 $0x1;
	s19 =	sadd.s32 s19, s1;
	s20 =	sadd.s32 s20, s1  }
.LBB2_1:
0x15: {  	s1 =	simm.s32 $0x70;
	s2 =	simm.s32 $0x3C0  }
.LBB2_2:
0x16: {  	p0 =	sne.s32 s2, $0xF9C0;
	[tilespmem:s1+$0x2800] =	vst v0  }
0x17: {  	[tilespmem:s1+$0x2790] =	vst v0  }
0x18: {  	[tilespmem:s1+$0x27A0] =	vst v0  }
.Ltmp0:
0x19: {  	[tilespmem:s1+$0x27B0] =	vst v0;
	(pc) =	sbr.rel @p0 .LBB2_2-.Ltmp0, $4  }
0x1a: {  	[tilespmem:s1+$0x27C0] =	vst v0  }
0x1b: {  	[tilespmem:s1+$0x27D0] =	vst v0  }
0x1c: {  	[tilespmem:s1+$0x27E0] =	vst v0  }
0x1d: {  	[tilespmem:s1+$0x27F0] =	vst v0;
	s1 =	sshra.s32 s2, $0x2;
	s2 =	sadd.s32 $0x200, s2  }
0x1e: {  	[tilespmem:s1+$0x2800] =	vst v0  }
0x1f: {  	[tilespmem:s1+$0x2790] =	vst v0  }
0x20: {  	[tilespmem:s1+$0x27A0] =	vst v0  }
0x21: {  	[tilespmem:s1+$0x27B0] =	vst v0  }
0x22: {  	[tilespmem:s1+$0x27C0] =	vst v0  }
0x23: {  	[tilespmem:s1+$0x27D0] =	vst v0  }
0x24: {  	[tilespmem:s1+$0x27E0] =	vst v0  }
0x25: {  	[tilespmem:s1+$0x27F0] =	vst v0  }
0x26: {  	[spmem:s5] =	stream.linear.scatter [tilespmem:s21], [sflag:$0x3], $0x2000, $0x38;
	[tilespmem:$0x1E080] =	vst v63  }
0x27: {  	_ =	swait.ge [sflag:s22], $0x2000  }
0x28: {  	[sflag:s22] =	ssyncset.done $0x0  }
0x29: {  	s7 =	rddreg [dreg:$0x6];
	[sflag:s22] =	ssyncadd.s32 $0xFFFFE000  }
0x2a: {  	[spmem:s7] =	stream.linear.scatter [tilespmem:s21], [sflag:$0x3], $0x2000, $0x38;
	[tilespmem:$0x1E080] =	vst v63  }
0x2b: {  	_ =	swait.ge [sflag:s22], $0x2000  }
0x2c: {  	[sflag:s22] =	ssyncset.done $0x0  }
0x2d: {  	[sflag:s22] =	ssyncadd.s32 $0xFFFFE000  }
0x2e: {  	[spmem:s9] =	stream.linear.scatter [tilespmem:s21], [sflag:$0x3], $0x2000, $0x38;
	[tilespmem:$0x1E080] =	vst v63  }
0x2f: {  	_ =	swait.ge [sflag:s22], $0x2000  }
0x30: {  	[sflag:s22] =	ssyncset.done $0x0  }
0x31: {  	[sflag:s22] =	ssyncadd.s32 $0xFFFFE000  }
0x32: {  	[spmem:s10] =	stream.linear.scatter [tilespmem:s21], [sflag:$0x3], $0x2000, $0x38;
	[tilespmem:$0x1E080] =	vst v63  }
0x33: {  	_ =	swait.ge [sflag:s22], $0x2000  }
0x34: {  	[sflag:s22] =	ssyncset.done $0x0  }
0x35: {  	[sflag:s22] =	ssyncadd.s32 $0xFFFFE000  }
0x36: {  	[spmem:s11] =	stream.linear.scatter [tilespmem:s21], [sflag:$0x3], $0x2000, $0x38;
	[tilespmem:$0x1E080] =	vst v63  }
0x37: {  	_ =	swait.ge [sflag:s22], $0x2000  }
0x38: {  	[sflag:s22] =	ssyncset.done $0x0  }
0x39: {  	[sflag:s22] =	ssyncadd.s32 $0xFFFFE000  }
0x3a: {  	[spmem:s12] =	stream.linear.scatter [tilespmem:s21], [sflag:$0x3], $0x2000, $0x38;
	[tilespmem:$0x1E080] =	vst v63  }
0x3b: {  	_ =	swait.ge [sflag:s22], $0x2000  }
0x3c: {  	[sflag:s22] =	ssyncset.done $0x0  }
0x3d: {  	[sflag:s22] =	ssyncadd.s32 $0xFFFFE000  }
0x3e: {  	[spmem:s13] =	stream.linear.scatter [tilespmem:s21], [sflag:$0x3], $0x2000, $0x38;
	[tilespmem:$0x1E080] =	vst v63  }
0x3f: {  	_ =	swait.ge [sflag:s22], $0x2000  }
0x40: {  	[sflag:s22] =	ssyncset.done $0x0  }
0x41: {  	[sflag:s22] =	ssyncadd.s32 $0xFFFFE000  }
0x42: {  	[spmem:s14] =	stream.linear.scatter [tilespmem:s21], [sflag:$0x3], $0x2000, $0x38;
	[tilespmem:$0x1E080] =	vst v63  }
0x43: {  	_ =	swait.ge [sflag:s22], $0x2000  }
0x44: {  	[sflag:s22] =	ssyncset.done $0x0  }
0x45: {  	[sflag:s22] =	ssyncadd.s32 $0xFFFFE000  }
0x46: {  	[spmem:s15] =	stream.linear.scatter [tilespmem:s21], [sflag:$0x3], $0x2000, $0x38;
	[tilespmem:$0x1E080] =	vst v63  }
0x47: {  	_ =	swait.ge [sflag:s22], $0x2000  }
0x48: {  	[sflag:s22] =	ssyncset.done $0x0  }
0x49: {  	[sflag:s22] =	ssyncadd.s32 $0xFFFFE000  }
0x4a: {  	[spmem:s16] =	stream.linear.scatter [tilespmem:s21], [sflag:$0x3], $0x2000, $0x38;
	[tilespmem:$0x1E080] =	vst v63  }
0x4b: {  	_ =	swait.ge [sflag:s22], $0x2000  }
0x4c: {  	[sflag:s22] =	ssyncset.done $0x0  }
0x4d: {  	[sflag:s22] =	ssyncadd.s32 $0xFFFFE000  }
0x4e: {  	s8 =	simm.s32 $0x0;
	[bflag:$0x0] =	sbarrier.arrive $0xFFFF  }
0x4f: {  	[tilespmem:s8], [sflag:$0x3] =	stream.linear.gather [hbm4b:s17+s8], $0x1400, $0x38;
	[tilespmem:$0x1E080] =	vst v63  }
0x50: {  	_ =	swait.ge [sflag:s22], $0x1400  }
0x51: {  	[sflag:s22] =	ssyncset.done $0x0  }
0x52: {  	[sflag:s22] =	ssyncadd.s32 $0xFFFFEC00  }
0x53: {  	[tilespmem:s23], [sflag:$0x3] =	stream.linear.gather [hbm4b:s18+s8], $0x1400, $0x38;
	[tilespmem:$0x1E080] =	vst v63  }
0x54: {  	_ =	swait.ge [sflag:s22], $0x1400  }
0x55: {  	[sflag:s22] =	ssyncset.done $0x0  }
0x56: {  	[sflag:s22] =	ssyncadd.s32 $0xFFFFEC00  }
0x57: {  	[tilespmem:s21], [sflag:$0x1] =	stream.indirect.gather [hbm4b:s0+s24], $0x80, s23, s24, $0xb8;
	[tilespmem:$0x1E080] =	vst v63  }
0x58: {  	s2 =	simm.s32 $0x1480  }
0x59: {  	[tilespmem:s25], [sflag:$0x2] =	stream.indirect.gather [hbm4b:s0+s24], $0x80, s2, s24, $0xb8;
	[tilespmem:$0x1E080] =	vst v63  }
0x5a: {  	_ =	swait.ge [sflag:s26], $0x3E80  }
0x5b: {  	[sflag:s26] =	ssyncset.done $0x0  }
0x5c: {  	s6 =	simm.s32 $0x0;
	[sflag:s26] =	ssyncadd.s32 $0xFFFFC180  }
0x5d: {  	[spmem:s3] =	stream.indirect.scatter.add.f32 [tilespmem:s21], [sflag:$0x3], $0x80, s6, s24, $0xb8;
	[tilespmem:$0x1E080] =	vst v63  }
0x5e: {  	_ =	swait.ge [sflag:s22], $0x3E80  }
0x5f: {  	[sflag:s22] =	ssyncset.done $0x0  }
0x60: {  	s7 =	simm.s32 $0x1500;
	[sflag:s22] =	ssyncadd.s32 $0xFFFFC180  }
0x61: {  	[tilespmem:s21], [sflag:$0x1] =	stream.indirect.gather [hbm4b:s0+s24], $0x80, s7, s24, $0xb8;
	[tilespmem:$0x1E080] =	vst v63  }
0x62: {  	_ =	swait.ge [sflag:s28], $0x3E80  }
0x63: {  	[sflag:s28] =	ssyncset.done $0x0  }
0x64: {  	s8 =	simm.s32 $0x80;
	[sflag:s28] =	ssyncadd.s32 $0xFFFFC180  }
0x65: {  	[spmem:s3] =	stream.indirect.scatter.add.f32 [tilespmem:s25], [sflag:$0x3], $0x80, s8, s24, $0xb8;
	[tilespmem:$0x1E080] =	vst v63  }
0x66: {  	_ =	swait.ge [sflag:s22], $0x3E80  }
0x67: {  	s1 =	simm.s32 $0x100;
	s2 =	simm.s32 $0x800;
	[sflag:s22] =	ssyncset.done $0x0  }
.LBB2_4:
0x68: {  	s6 =	sadd.s32 $0x1480, s1  }
0x69: {  	[sflag:s22] =	ssyncadd.s32 $0xFFFFC180;
	s7 =	smov.u32 s2;
	s8 =	sadd.s32 $0x400, s2  }
0x6a: {  	[tilespmem:s25], [sflag:$0x2] =	stream.indirect.gather [hbm4b:s0+s24], $0x80, s6, s24, $0xb8;
	[tilespmem:$0x1E080] =	vst v63  }
0x6b: {  	p0 =	sne.s32 s2, $0x4800;
	_ =	swait.ge [sflag:s26], $0x3E80  }
0x6c: {  	[sflag:s26] =	ssyncset.done $0x0  }
0x6d: {  	[sflag:s26] =	ssyncadd.s32 $0xFFFFC180  }
0x6e: {  	[spmem:s3] =	stream.indirect.scatter.add.f32 [tilespmem:s21], [sflag:$0x3], $0x80, s1, s24, $0xb8;
	[tilespmem:$0x1E080] =	vst v63  }
0x6f: {  	_ =	swait.ge [sflag:s22], $0x3E80  }
0x70: {  	[sflag:s22] =	ssyncset.done $0x0  }
0x71: {  	s2 =	sadd.s32 $0x1500, s1;
	[sflag:s22] =	ssyncadd.s32 $0xFFFFC180  }
0x72: {  	[tilespmem:s21], [sflag:$0x1] =	stream.indirect.gather [hbm4b:s0+s24], $0x80, s2, s24, $0xb8;
	[tilespmem:$0x1E080] =	vst v63  }
0x73: {  	_ =	swait.ge [sflag:s28], $0x3E80  }
.Ltmp1:
0x74: {  	[sflag:s28] =	ssyncset.done $0x0;
	(pc) =	sbr.rel @p0 .LBB2_4-.Ltmp1, $4  }
0x75: {  	s1 =	sadd.s32 $0x80, s1;
	[sflag:s28] =	ssyncadd.s32 $0xFFFFC180  }
0x76: {  	[spmem:s3] =	stream.indirect.scatter.add.f32 [tilespmem:s25], [sflag:$0x3], $0x80, s1, s24, $0xb8;
	[tilespmem:$0x1E080] =	vst v63  }
0x77: {  	_ =	swait.ge [sflag:s22], $0x3E80  }
0x78: {  	s2 =	smov.u32 s8;
	s1 =	sshra.s32 s7, $0x2;
	[sflag:s22] =	ssyncset.done $0x0  }
0x79: {  	s2 =	sadd.s32 $0x1480, s1;
	[sflag:s22] =	ssyncadd.s32 $0xFFFFC180  }
0x7a: {  	[tilespmem:s25], [sflag:$0x2] =	stream.indirect.gather [hbm4b:s0+s24], $0x80, s2, s24, $0xb8;
	[tilespmem:$0x1E080] =	vst v63  }
0x7b: {  	_ =	swait.ge [sflag:s26], $0x3E80  }
0x7c: {  	[sflag:s26] =	ssyncset.done $0x0  }
0x7d: {  	[sflag:s26] =	ssyncadd.s32 $0xFFFFC180  }
0x7e: {  	[spmem:s3] =	stream.indirect.scatter.add.f32 [tilespmem:s21], [sflag:$0x3], $0x80, s1, s24, $0xb8;
	[tilespmem:$0x1E080] =	vst v63  }
0x7f: {  	_ =	swait.ge [sflag:s22], $0x3E80  }
0x80: {  	[sflag:s22] =	ssyncset.done $0x0  }
0x81: {  	s6 =	sadd.s32 $0x1500, s1;
	[sflag:s22] =	ssyncadd.s32 $0xFFFFC180  }
0x82: {  	[tilespmem:s21], [sflag:$0x1] =	stream.indirect.gather [hbm4b:s0+s24], $0x80, s6, s24, $0xb8;
	[tilespmem:$0x1E080] =	vst v63  }
0x83: {  	_ =	swait.ge [sflag:s28], $0x3E80  }
0x84: {  	[sflag:s28] =	ssyncset.done $0x0  }
0x85: {  	s7 =	sadd.s32 $0x80, s1;
	[sflag:s28] =	ssyncadd.s32 $0xFFFFC180  }
0x86: {  	[spmem:s3] =	stream.indirect.scatter.add.f32 [tilespmem:s25], [sflag:$0x3], $0x80, s7, s24, $0xb8;
	[tilespmem:$0x1E080] =	vst v63  }
0x87: {  	_ =	swait.ge [sflag:s22], $0x3E80  }
0x88: {  	[sflag:s22] =	ssyncset.done $0x0  }
0x89: {  	[sflag:s22] =	ssyncadd.s32 $0xFFFFC180  }
0x8a: {  	[tilespmem:s25], [sflag:$0x2] =	stream.indirect.gather [hbm4b:s0+s24], $0x80, s29, s24, $0xb8;
	[tilespmem:$0x1E080] =	vst v63  }
0x8b: {  	_ =	swait.ge [sflag:s26], $0x3E80  }
0x8c: {  	[sflag:s26] =	ssyncset.done $0x0  }
0x8d: {  	[sflag:s26] =	ssyncadd.s32 $0xFFFFC180  }
0x8e: {  	[spmem:s3] =	stream.indirect.scatter.add.f32 [tilespmem:s21], [sflag:$0x3], $0x80, s30, s24, $0xb8;
	[tilespmem:$0x1E080] =	vst v63  }
0x8f: {  	_ =	swait.ge [sflag:s22], $0x3E80  }
0x90: {  	[sflag:s22] =	ssyncset.done $0x0  }
0x91: {  	[sflag:s22] =	ssyncadd.s32 $0xFFFFC180  }
0x92: {  	_ =	swait.ge [sflag:s28], $0x3E80  }
0x93: {  	[sflag:s28] =	ssyncset.done $0x0  }
0x94: {  	[sflag:s28] =	ssyncadd.s32 $0xFFFFC180  }
0x95: {  	[spmem:s3] =	stream.indirect.scatter.add.f32 [tilespmem:s25], [sflag:$0x3], $0x80, s31, s24, $0xb8;
	[tilespmem:$0x1E080] =	vst v63  }
0x96: {  	_ =	swait.ge [sflag:s22], $0x3E80  }
0x97: {  	[sflag:s22] =	ssyncset.done $0x0  }
0x98: {  	s8 =	simm.s32 $0x0;
	[sflag:s22] =	ssyncadd.s32 $0xFFFFC180  }
0x99: {  	[tilespmem:s8], [sflag:$0x3] =	stream.linear.gather [hbm4b:s19+s8], $0x1400, $0x38;
	[tilespmem:$0x1E080] =	vst v63  }
0x9a: {  	_ =	swait.ge [sflag:s22], $0x1400  }
0x9b: {  	[sflag:s22] =	ssyncset.done $0x0  }
0x9c: {  	[sflag:s22] =	ssyncadd.s32 $0xFFFFEC00  }
0x9d: {  	[tilespmem:s23], [sflag:$0x3] =	stream.linear.gather [hbm4b:s20+s8], $0x1400, $0x38;
	[tilespmem:$0x1E080] =	vst v63  }
0x9e: {  	_ =	swait.ge [sflag:s22], $0x1400  }
0x9f: {  	[sflag:s22] =	ssyncset.done $0x0  }
0xa0: {  	[sflag:s22] =	ssyncadd.s32 $0xFFFFEC00  }
0xa1: {  	[tilespmem:s21], [sflag:$0x1] =	stream.indirect.gather [hbm4b:s0+s24], $0x80, s23, s24, $0xb8;
	[tilespmem:$0x1E080] =	vst v63  }
0xa2: {  	s2 =	simm.s32 $0x1480  }
0xa3: {  	[tilespmem:s25], [sflag:$0x2] =	stream.indirect.gather [hbm4b:s0+s24], $0x80, s2, s24, $0xb8;
	[tilespmem:$0x1E080] =	vst v63  }
0xa4: {  	_ =	swait.ge [sflag:s26], $0x3E80  }
0xa5: {  	[sflag:s26] =	ssyncset.done $0x0  }
0xa6: {  	s6 =	simm.s32 $0x0;
	[sflag:s26] =	ssyncadd.s32 $0xFFFFC180  }
0xa7: {  	[spmem:s3] =	stream.indirect.scatter.add.f32 [tilespmem:s21], [sflag:$0x3], $0x80, s6, s24, $0xb8;
	[tilespmem:$0x1E080] =	vst v63  }
0xa8: {  	_ =	swait.ge [sflag:s22], $0x3E80  }
0xa9: {  	[sflag:s22] =	ssyncset.done $0x0  }
0xaa: {  	s7 =	simm.s32 $0x1500;
	[sflag:s22] =	ssyncadd.s32 $0xFFFFC180  }
0xab: {  	[tilespmem:s21], [sflag:$0x1] =	stream.indirect.gather [hbm4b:s0+s24], $0x80, s7, s24, $0xb8;
	[tilespmem:$0x1E080] =	vst v63  }
0xac: {  	_ =	swait.ge [sflag:s28], $0x3E80  }
0xad: {  	[sflag:s28] =	ssyncset.done $0x0  }
0xae: {  	s8 =	simm.s32 $0x80;
	[sflag:s28] =	ssyncadd.s32 $0xFFFFC180  }
0xaf: {  	[spmem:s3] =	stream.indirect.scatter.add.f32 [tilespmem:s25], [sflag:$0x3], $0x80, s8, s24, $0xb8;
	[tilespmem:$0x1E080] =	vst v63  }
0xb0: {  	_ =	swait.ge [sflag:s22], $0x3E80  }
0xb1: {  	s1 =	simm.s32 $0x100;
	s2 =	simm.s32 $0x800;
	[sflag:s22] =	ssyncset.done $0x0  }
.LBB2_6:
0xb2: {  	s6 =	sadd.s32 $0x1480, s1  }
0xb3: {  	[sflag:s22] =	ssyncadd.s32 $0xFFFFC180;
	s7 =	smov.u32 s2;
	s8 =	sadd.s32 $0x400, s2  }
0xb4: {  	[tilespmem:s25], [sflag:$0x2] =	stream.indirect.gather [hbm4b:s0+s24], $0x80, s6, s24, $0xb8;
	[tilespmem:$0x1E080] =	vst v63  }
0xb5: {  	p0 =	sne.s32 s2, $0x4800;
	_ =	swait.ge [sflag:s26], $0x3E80  }
0xb6: {  	[sflag:s26] =	ssyncset.done $0x0  }
0xb7: {  	[sflag:s26] =	ssyncadd.s32 $0xFFFFC180  }
0xb8: {  	[spmem:s3] =	stream.indirect.scatter.add.f32 [tilespmem:s21], [sflag:$0x3], $0x80, s1, s24, $0xb8;
	[tilespmem:$0x1E080] =	vst v63  }
0xb9: {  	_ =	swait.ge [sflag:s22], $0x3E80  }
0xba: {  	[sflag:s22] =	ssyncset.done $0x0  }
0xbb: {  	s2 =	sadd.s32 $0x1500, s1;
	[sflag:s22] =	ssyncadd.s32 $0xFFFFC180  }
0xbc: {  	[tilespmem:s21], [sflag:$0x1] =	stream.indirect.gather [hbm4b:s0+s24], $0x80, s2, s24, $0xb8;
	[tilespmem:$0x1E080] =	vst v63  }
0xbd: {  	_ =	swait.ge [sflag:s28], $0x3E80  }
.Ltmp2:
0xbe: {  	[sflag:s28] =	ssyncset.done $0x0;
	(pc) =	sbr.rel @p0 .LBB2_6-.Ltmp2, $4  }
0xbf: {  	s1 =	sadd.s32 $0x80, s1;
	[sflag:s28] =	ssyncadd.s32 $0xFFFFC180  }
0xc0: {  	[spmem:s3] =	stream.indirect.scatter.add.f32 [tilespmem:s25], [sflag:$0x3], $0x80, s1, s24, $0xb8;
	[tilespmem:$0x1E080] =	vst v63  }
0xc1: {  	_ =	swait.ge [sflag:s22], $0x3E80  }
0xc2: {  	s2 =	smov.u32 s8;
	s1 =	sshra.s32 s7, $0x2;
	[sflag:s22] =	ssyncset.done $0x0  }
0xc3: {  	s2 =	sadd.s32 $0x1480, s1;
	[sflag:s22] =	ssyncadd.s32 $0xFFFFC180  }
0xc4: {  	[tilespmem:s25], [sflag:$0x2] =	stream.indirect.gather [hbm4b:s0+s24], $0x80, s2, s24, $0xb8;
	[tilespmem:$0x1E080] =	vst v63  }
0xc5: {  	_ =	swait.ge [sflag:s26], $0x3E80  }
0xc6: {  	[sflag:s26] =	ssyncset.done $0x0  }
0xc7: {  	[sflag:s26] =	ssyncadd.s32 $0xFFFFC180  }
0xc8: {  	[spmem:s3] =	stream.indirect.scatter.add.f32 [tilespmem:s21], [sflag:$0x3], $0x80, s1, s24, $0xb8;
	[tilespmem:$0x1E080] =	vst v63  }
0xc9: {  	_ =	swait.ge [sflag:s22], $0x3E80  }
0xca: {  	[sflag:s22] =	ssyncset.done $0x0  }
0xcb: {  	s8 =	sadd.s32 $0x1500, s1;
	[sflag:s22] =	ssyncadd.s32 $0xFFFFC180  }
0xcc: {  	[tilespmem:s21], [sflag:$0x1] =	stream.indirect.gather [hbm4b:s0+s24], $0x80, s8, s24, $0xb8;
	[tilespmem:$0x1E080] =	vst v63  }
0xcd: {  	_ =	swait.ge [sflag:s28], $0x3E80  }
0xce: {  	[sflag:s28] =	ssyncset.done $0x0  }
0xcf: {  	s2 =	sadd.s32 $0x80, s1;
	[sflag:s28] =	ssyncadd.s32 $0xFFFFC180  }
0xd0: {  	[spmem:s3] =	stream.indirect.scatter.add.f32 [tilespmem:s25], [sflag:$0x3], $0x80, s2, s24, $0xb8;
	[tilespmem:$0x1E080] =	vst v63  }
0xd1: {  	_ =	swait.ge [sflag:s22], $0x3E80  }
0xd2: {  	[sflag:s22] =	ssyncset.done $0x0  }
0xd3: {  	[sflag:s22] =	ssyncadd.s32 $0xFFFFC180  }
0xd4: {  	[tilespmem:s25], [sflag:$0x2] =	stream.indirect.gather [hbm4b:s0+s24], $0x80, s29, s24, $0xb8;
	[tilespmem:$0x1E080] =	vst v63  }
0xd5: {  	_ =	swait.ge [sflag:s26], $0x3E80  }
0xd6: {  	[sflag:s26] =	ssyncset.done $0x0  }
0xd7: {  	[sflag:s26] =	ssyncadd.s32 $0xFFFFC180  }
0xd8: {  	[spmem:s3] =	stream.indirect.scatter.add.f32 [tilespmem:s21], [sflag:$0x3], $0x80, s30, s24, $0xb8;
	[tilespmem:$0x1E080] =	vst v63  }
0xd9: {  	_ =	swait.ge [sflag:s22], $0x3E80  }
0xda: {  	[sflag:s22] =	ssyncset.done $0x0  }
0xdb: {  	[sflag:s22] =	ssyncadd.s32 $0xFFFFC180  }
0xdc: {  	_ =	swait.ge [sflag:s28], $0x3E80  }
0xdd: {  	[sflag:s28] =	ssyncset.done $0x0  }
0xde: {  	[sflag:s28] =	ssyncadd.s32 $0xFFFFC180  }
0xdf: {  	[spmem:s3] =	stream.indirect.scatter.add.f32 [tilespmem:s25], [sflag:$0x3], $0x80, s31, s24, $0xb8;
	[tilespmem:$0x1E080] =	vst v63  }
0xe0: {  	_ =	swait.ge [sflag:s22], $0x3E80  }
0xe1: {  	[sflag:s22] =	ssyncset.done $0x0  }
0xe2: {  	s6 =	stileid.u32;
	[sflag:s22] =	ssyncadd.s32 $0xFFFFC180  }
0xe3: {  	s1 =	sshll.u32 s6, $0x6;
	[bflag:$0x0] =	sbarrier.arrive $0xFFFF  }
0xe4: {  	s7 =	sshrl.u32 s5, $0x3;
	s1 =	sor.u32 $0x1C03, s1;
	s6 =	rddreg [dreg:$0x4]  }
0xe5: {  	[hbm:s6], [sflag:s1] =	dma.local [spmem:s7], $0x2800  }
0xe6: {  	_ =	swait.ge [sflag:s22], $0x2800  }
0xe7: {  	s4 =	sadd.s32 $0x1, s4;
	s8 =	rddreg [dreg:$0x5]  }
0xe8: {  	p0 =	sne.s32 s4, s8  }
.Ltmp3:
0xe9: {  	_ = 	snop;
	(pc) =	sbr.rel @p0 .LBB2_1-.Ltmp3, $3  }
0xea: {  	_ =	sdelay $0x1  }
0xeb: {  	[sflag:s22] =	ssyncset.done $0x0  }
0xec: {  	[sflag:s22] =	ssyncadd.s32 $0xFFFFD800  }
0xed: {  	_ =	sfence.sel $0x180000  }
0xee: {  	[bflag:$0x0] =	sbarrier.arrive $0xFFFF  }
0xef: {  	_ =	strace $0x9000004D  }
0xf0: {  	s0 =	stileid.u32;
	[bflag:$0x2] =	sbarrier.arrive $0xFFFF  }
0xf1: {  	p0 =	sne.s32 s0, $0x0;
	s0 =	rddreg [dreg:$0x3]  }
0xf2: {  	s0 =	sadd.s32 @!p0 $0x100000, s0  }
0xf3: {  	[sflag:s0] =	ssyncadd.tile.s32 @!p0 $0x1;
	_ =	shalt  }
.Lfunc_end2:
_tile_overlayer_lowered:
.L_overlay_start_2:
0xf4: {  	(tag) =	ssettag $0x2  }
0xf5: {  	s0 =	rddreg [dreg:$0x0];
	s2 =	stileid.u32  }
0xf6: {  	s1 =	rddreg [dreg:$0x1];
	p0 =	sne.s32 s2, $0x0  }
0xf7: {  	s3 =	rddreg [dreg:$0x2];
	[bflag:$0x3] =	sbarrier.arrive $0xFFFF;
	s2 =	simm.s32 @!p0 $0x1C03  }
0xf8: {  	[timem:s3], [sflag:s2] =	dma.local @!p0 [hbm:s0], s1  }
0xf9: {  	s0 =	simm.s32 @!p0 $0x3  }
0xfa: {  	_ =	swait.ge @!p0 [sflag:s0], s1  }
0xfb: {  	s1 =	ssub.s32 @!p0 $0x0, s1;
	[sflag:s0] =	ssyncset.done @!p0 $0x0  }
0xfc: {  	[sflag:s0] =	ssyncadd.s32 @!p0 s1  }
0xfd: {  	[bflag:$0x3] =	sbarrier.arrive $0xFFFF  }
0xfe: {  	_ =	shalt  }

// kernel: kernel.9.cloned.1.call-start
scs
__scs_entry_jumppad:
0x0: {  	(pc) =	sbr.rel $0x88, $3  }
0x1: {  	(tag) =	ssettag $0x0;
	lr =	simm.s32 $0x1  }
0x2: {  	[smem:$0x3F97] =	sst lr;
	_ =	strace $0xD0000000  }
0x3: {  	_ = 	snop  }
0x4: {  	_ = 	snop  }
0x5: {  	_ = 	snop  }
0x6: {  	_ = 	snop  }
0x7: {  	_ = 	snop  }
__scs_overlays_trampoline_lowered:
0x8: {  	[smem:$0x3FA6] =	sst s0  }
0x9: {  	[smem:$0x3FA7] =	sst s1  }
0xa: {  	[smem:$0x3FA8] =	sst s2  }
0xb: {  	[smem:$0x3FA9] =	sst s3  }
0xc: {  	[smem:$0x3FAA] =	sst s4  }
0xd: {  	[smem:$0x3FAB] =	sst s5  }
0xe: {  	[smem:$0x3FAC] =	sst s6  }
0xf: {  	[smem:$0x3FAD] =	sst s7  }
0x10: {  	[smem:$0x3FAE] =	sst s8  }
0x11: {  	[smem:$0x3FAF] =	sst s9;
	s0 =	simm.s32 @!p0 $0x0  }
0x12: {  	s1 =	sld [smem:$0x3F95];
	s0 =	simm.s32 @p0 $0x1  }
0x13: {  	[smem:$0x3FB0] =	sst s0;
	s0 =	simm.s32 @!p1 $0x0  }
0x14: {  	s2 =	sld [smem:$0x3F94];
	s0 =	simm.s32 @p1 $0x1  }
0x15: {  	[smem:$0x3FB1] =	sst s0;
	s0 =	simm.s32 @!p2 $0x0  }
0x16: {  	s3 =	sld [smem:$0x3FDB];
	s0 =	simm.s32 @p2 $0x1  }
0x17: {  	s4 =	simm.s32 $0x1BF5;
	[smem:$0x3FB3] =	sst s0  }
0x18: {  	s0 =	sld [smem:$0x3F96];
	_ =	swait.ge [sflag:s4], $0x0  }
0x19: {  	s7 =	sld [smem:$0x3F97]  }
0x1a: {  	s8 =	sadd.s32 $0xFFFFE003, lr  }
0x1b: {  	s9 =	sadd.s32 $0xFFFFFEF7, lr;
	s5 =	simm.s32 $0xFFFFFFFF;
	p2 =	slt.u32 s8, $0xFFFFF086  }
0x1c: {  	p1 =	slt.u32 s9, $0xF7A;
	s5 =	simm.s32 @!p2 $0x0  }
0x1d: {  	s5 =	simm.s32 @p1 $0x1;
	p0 =	seq.s32 s7, s2  }
0x1e: {  	s7 =	smul.u32 @!p0 $0xF7A, s2;
	p2 =	seq.s32 @!p0 s5, $0x0  }
0x1f: {  	s9 =	smul.u32 $0xF7A, s1;
	s8 =	simm.s32 @!p0 $0x1BF5;
	p2 =	por !p2, p0  }
0x20: {  	[sflag:s8] =	ssyncset.s32 @!p0 $0xFFFFF086;
	s6 =	sadd.s32 @!p0 s3, s7;
	s7 =	simm.s32 @!p0 $0x108  }
0x21: {  	s3 =	sadd.s32 s3, s9;
	s6 =	sadd.s32 @!p0 $0x88, s6;
	s7 =	simm.s32 @p2 $0x1082  }
0x22: {  	[simem:s7], [sflag:s8] =	dma.local @!p0 [hbm:s6], $0xF7A  }
0x23: {  	s9 =	sor.u32 $0xD0000000, s2;
	s6 =	simm.s32 $0x108;
	_ =	swait.ge @!p0 [sflag:s8], $0x0  }
0x24: {  	s3 =	sadd.s32 $0x88, s3;
	s6 =	simm.s32 @!p1 $0x1082;
	[sflag:s4] =	ssyncset.s32 $0xFFFFF086  }
0x25: {  	[simem:s6], [sflag:s4] =	dma.local [hbm:s3], $0xF7A  }
0x26: {  	[smem:$0x3F97] =	sst s1;
	(tag) =	ssettag s2;
	_ =	strace s9  }
0x27: {  	s1 =	sld [smem:$0x3FA7]  }
0x28: {  	s2 =	sld [smem:$0x3FA8]  }
0x29: {  	s4 =	sld [smem:$0x3FAA]  }
0x2a: {  	p0 =	seq.s32 s5, $0x0;
	s5 =	sld [smem:$0x3FAB]  }
0x2b: {  	s6 =	sld [smem:$0x3FAC]  }
0x2c: {  	s7 =	sld [smem:$0x3FAD]  }
0x2d: {  	s3 =	simm.s32 $0x108;
	s8 =	sld [smem:$0x3FAE]  }
0x2e: {  	s3 =	simm.s32 @!p0 $0x1082;
	s9 =	sld [smem:$0x3FAF]  }
0x2f: {  	lr =	sadd.s32 s0, s3;
	s0 =	sld [smem:$0x3FA6]  }
0x30: {  	s3 =	sld [smem:$0x3FA9]  }
0x31: {  	[smem:$0x3FB2] =	sst s10  }
0x32: {  	s10 =	sld [smem:$0x3FB0];
	_ =	sdelay $0x3  }
0x33: {  	p0 =	seq.s32 s10, $0x1;
	s10 =	sld [smem:$0x3FB2];
	_ =	sdelay $0x3  }
0x34: {  	[smem:$0x3FB2] =	sst s10  }
0x35: {  	s10 =	sld [smem:$0x3FB1];
	_ =	sdelay $0x3  }
0x36: {  	p1 =	seq.s32 s10, $0x1;
	s10 =	sld [smem:$0x3FB2];
	_ =	sdelay $0x3  }
0x37: {  	[smem:$0x3FB2] =	sst s10  }
0x38: {  	s10 =	sld [smem:$0x3FB3]  }
0x39: {  	_ = 	snop;
	(pc) =	sbr.ind lr, $3  }
0x3a: {  	_ = 	snop  }
0x3b: {  	_ = 	snop  }
0x3c: {  	p2 =	seq.s32 s10, $0x1;
	s10 =	sld [smem:$0x3FB2]  }
0x3d: {  	_ =	shalt  }
0x3e: {  	_ =	shalt  }
0x3f: {  	_ =	shalt  }
0x40: {  	_ =	shalt  }
0x41: {  	_ =	shalt  }
0x42: {  	_ =	shalt  }
0x43: {  	_ =	shalt  }
0x44: {  	_ =	shalt  }
0x45: {  	_ =	shalt  }
0x46: {  	_ =	shalt  }
0x47: {  	_ =	shalt  }
0x48: {  	_ =	shalt  }
0x49: {  	_ =	shalt  }
0x4a: {  	_ =	shalt  }
0x4b: {  	_ =	shalt  }
0x4c: {  	_ =	shalt  }
0x4d: {  	_ =	shalt  }
0x4e: {  	_ =	shalt  }
0x4f: {  	_ =	shalt  }
0x50: {  	_ =	shalt  }
0x51: {  	_ =	shalt  }
0x52: {  	_ =	shalt  }
0x53: {  	_ =	shalt  }
0x54: {  	_ =	shalt  }
0x55: {  	_ =	shalt  }
0x56: {  	_ =	shalt  }
0x57: {  	_ =	shalt  }
0x58: {  	_ =	shalt  }
0x59: {  	_ =	shalt  }
0x5a: {  	_ =	shalt  }
0x5b: {  	_ =	shalt  }
0x5c: {  	_ =	shalt  }
0x5d: {  	_ =	shalt  }
0x5e: {  	_ =	shalt  }
0x5f: {  	_ =	shalt  }
0x60: {  	_ =	shalt  }
0x61: {  	_ =	shalt  }
0x62: {  	_ =	shalt  }
0x63: {  	_ =	shalt  }
0x64: {  	_ =	shalt  }
0x65: {  	_ =	shalt  }
0x66: {  	_ =	shalt  }
0x67: {  	_ =	shalt  }
0x68: {  	_ =	shalt  }
0x69: {  	_ =	shalt  }
0x6a: {  	_ =	shalt  }
0x6b: {  	_ =	shalt  }
0x6c: {  	_ =	shalt  }
0x6d: {  	_ =	shalt  }
0x6e: {  	_ =	shalt  }
0x6f: {  	_ =	shalt  }
0x70: {  	_ =	shalt  }
0x71: {  	_ =	shalt  }
0x72: {  	_ =	shalt  }
0x73: {  	_ =	shalt  }
0x74: {  	_ =	shalt  }
0x75: {  	_ =	shalt  }
0x76: {  	_ =	shalt  }
0x77: {  	_ =	shalt  }
0x78: {  	_ =	shalt  }
0x79: {  	_ =	shalt  }
0x7a: {  	_ =	shalt  }
0x7b: {  	_ =	shalt  }
0x7c: {  	_ =	shalt  }
0x7d: {  	_ =	shalt  }
0x7e: {  	_ =	shalt  }
0x7f: {  	_ =	shalt  }
0x80: {  	_ =	shalt  }
0x81: {  	_ =	shalt  }
0x82: {  	_ =	shalt  }
0x83: {  	_ =	shalt  }
0x84: {  	_ =	shalt  }
0x85: {  	_ =	shalt  }
0x86: {  	_ =	shalt  }
0x87: {  	_ =	shalt  }
.Lfunc_end0:
.L_simem_size_0:
called_computation_lowered:
.L_overlay_start_0:
0x88: {  	s2 =	sld [smem:$0x3FD9]  }
0x89: {  	s3 =	sld [smem:$0x3FFE];
	_ =	sdelay $0x1  }
0x8a: {  	s1 =	srdreg.scid  }
0x8b: {  	s0 =	sand.u32 $0x1, s1  }
0x8c: {  	s17 =	sshll.u32 s0, $0xA;
	s2 =	sadd.s32 s3, s2  }
0x8d: {  	s2 =	sadd.s32 s2, s17  }
0x8e: {  	[smem:$0x3FBE] =	sst s2  }
0x8f: {  	_ = 	snop  }
0x90: {  	s2 =	sld [smem:$0x3FD0];
	(tm) =	ssettm $0x1  }
0x91: {  	s18 =	sld [smem:$0x3FFB];
	_ =	sdelay $0x3  }
0x92: {  	_ =	strace s18  }
0x93: {  	s3 =	sld [smem:$0x3FFC];
	_ =	sdelay $0x3  }
0x94: {  	_ =	strace s3  }
0x95: {  	s3 =	sld [smem:$0x3FFD];
	_ =	sdelay $0x3  }
0x96: {  	_ =	strace s3  }
0x97: {  	_ =	strace $0x8FFFFFFF  }
0x98: {  	s19 =	sld [smem:$0x3FDB];
	_ =	sdelay $0x1  }
0x99: {  	s4 =	simm.s32 $_scs_section_size  }
0x9a: {  	s5 =	simm.s32 $_size__tile_overlayer_lowered;
	s6 =	simm.s32 $_tile_overlayer_lowered  }
0x9b: {  	s22 =	simm.s32 $0x1BFF;
	s21 =	sshll.u32 s6, $0x1;
	s3 =	sadd.s32 s4, s19  }
0x9c: {  	s7 =	simm.s32 $0x0;
	s20 =	sshll.u32 s5, $0x1;
	s5 =	sadd.s32 s21, s3  }
0x9d: {  	[timem:s7], [sflag:s22] =	dma.local [hbm:s5], s20  }
0x9e: {  	_ =	swait.ge [sflag:s22], s20  }
0x9f: {  	s4 =	ssub.s32 $0x0, s20;
	[sflag:s22] =	ssyncset.done $0x0  }
0xa0: {  	[sflag:s22] =	ssyncadd.s32 s4;
	_ =	sdelay $0x1  }
0xa1: {  	s23 =	simm.s32 $0x1B8B  }
0xa2: {  	_ =	swait.ge [sflag:s23], $0x1  }
0xa3: {  	[sflag:s23] =	ssyncset.done $0x0  }
0xa4: {  	s25 =	simm.s32 $0x1B8E;
	s24 =	sld [smem:$0x3FFE];
	[sflag:s23] =	ssyncadd.s32 $0xFFFFFFFF  }
0xa5: {  	s26 =	simm.s32 $execute0_lowered;
	[smem:$0x3FD2] =	sst s25  }
0xa6: {  	s5 =	sshll.u32 s26, $0x1;
	_ =	strace $0x80000046;
	[dreg:$0x1] =	wrdreg $0xFFFFFFFF  }
0xa7: {  	s28 =	simm.s32 $_size_execute0_lowered;
	s3 =	sadd.s32 s3, s5;
	[dreg:$0x0] =	wrdreg $0x0  }
0xa8: {  	s5 =	sshll.u32 s28, $0x1;
	[dreg:$0x2] =	wrdreg s3  }
0xa9: {  	[dreg:$0x3] =	wrdreg s5  }
0xaa: {  	[dreg:$0x4] =	wrdreg $0xC0  }
0xab: {  	_ =	task [dreg:s7], $0x5FFFF  }
0xac: {  	[dreg:$0x1] =	wrdreg $0xFFFFFFFF  }
0xad: {  	[dreg:$0x0] =	wrdreg $0x60  }
0xae: {  	[dreg:$0x2] =	wrdreg s24  }
0xaf: {  	[dreg:$0x3] =	wrdreg s2  }
0xb0: {  	[dreg:$0x4] =	wrdreg $0x9  }
0xb1: {  	_ =	task.clear_ibuf [dreg:s7], $0x5FFFF;
	_ =	strace $0x90000046  }
0xb2: {  	s29 =	simm.s32 $0x9;
	_ =	strace $0x80000048  }
0xb3: {  	_ =	swait.ge [sflag:s29], $0x1  }
0xb4: {  	[sflag:s29] =	ssyncadd.s32 $0xFFFFFFFF  }
0xb5: {  	_ =	strace $0x90000048  }
0xb6: {  	_ =	sfence  }
0xb7: {  	s30 =	sld [smem:$0x0];
	_ =	sdelay $0x2  }
0xb8: {  	s31 =	sshll.u32 s1, $0xD;
	s1 =	sshrl.u32 s1, $0x2  }
0xb9: {  	s3 =	sand.u32 $0x4000, s31;
	s1 =	sadd.s32 s1, s30  }
0xba: {  	s0 =	sor.u32 s3, s0;
	s1 =	sshll.u32 s1, $0x11  }
0xbb: {  	s0 =	sor.u32 s1, s0  }
0xbc: {  	s0 =	sadd.s32 $0x8F2B, s0  }
0xbd: {  	[sflag:s0] =	ssyncadd.remote.s32 $0x1  }
0xbe: {  	_ =	sfence.sel $0xFFFF  }
0xbf: {  	[dreg:$0x0] =	wrdreg $0xFFFFFFFF;
	(pc) =	sbr.abs _section_cstart, $3  }
0xc0: {  	[dreg:$0x1] =	wrdreg $0xFFFFFFFF  }
0xc1: {  	_ =	task.clear_ibuf [dreg:s7], $0x2FFFF;
	_ =	strace $0x9FFFFFFF  }
0xc2: {  	(tm) =	ssettm $0x7FFFFFFF  }
0xc3: {  	_ =	shalt  }
tec
execute0_lowered:
.L_overlay_start_1:
0x0: {  	(tag) =	ssettag $0x1  }
0x1: {  	s3 =	rddreg [dreg:$0x0]  }
0x2: {  	s0 =	srdreg.scid;
	s6 =	rddreg [dreg:$0x1]  }
0x3: {  	s1 =	stileid.u32;
	s2 =	simm.s32 $0x0;
	s10 =	simm.s32 $0x4F00  }
0x4: {  	s11 =	simm.s32 $0x7680;
	s12 =	simm.s32 $0x80;
	s4 =	sand.u32 $0x1, s0  }
0x5: {  	s13 =	simm.s32 $0x400;
	s0 =	rddreg [dreg:$0x2];
	s5 =	sshll.u32 s4, $0x4  }
0x6: {  	s14 =	simm.s32 $0x0;
	[smem:$0x7FF] =	sst s2;
	s5 =	sor.u32 s1, s5  }
0x7: {  	s8 =	sshll.u32 s1, $0x7;
	s7 =	smul.u32 $0x4E2, s5;
	s5 =	sshrl.u32 s5, $0x3  }
0x8: {  	s4 =	ssub.s32 $0x2, s4;
	_ =	strace $0x80000047;
	s5 =	smul.u32 $0x13C00, s5  }
0x9: {  	s8 =	sand.u32 $0x380, s8;
	s9 =	sshrl.u32 s4, $0x1;
	s7 =	sadd.s32 s7, s3  }
0xa: {  	s9 =	ssub.s32 s4, s9;
	s30 =	sor.u32 s8, s5;
	s3 =	sadd.s32 $0xC400, s7  }
0xb: {  	s4 =	sadd.s32 $0x2600, s7;
	s7 =	smax.u32 s9, $0x1;
	s8 =	sadd.s32 $0x4F000, s30  }
0xc: {  	s9 =	simm.s32 $0x2780;
	s5 =	sshrl.u32 s30, $0x3;
	s31 =	sshrl.u32 s8, $0x3  }
0xd: {  	v0 =	vimm.f32 $0.0e+00;
	v1 =	vimm.f32 $1.000000000e+00;
	s5 =	sadd.s32 s6, s5;
	s8 =	simm.s32 $0x1;
	s6 =	sadd.s32 s6, s31  }
.LBB2_1:
0xe: {  	[tilespmem:s2], [sflag:$0x1] =	stream.linear.gather [hbm4b:s3+s2], $0x2710, $0x38;
	[tilespmem:$0x9E00] =	vst v63  }
0xf: {  	_ =	swait.ge [sflag:s8], $0x2710  }
0x10: {  	[sflag:s8] =	ssyncset.done $0x0  }
0x11: {  	[sflag:s8] =	ssyncadd.s32 $0xFFFFD8F0  }
0x12: {  	[tilespmem:s9], [sflag:$0x1] =	stream.linear.gather [hbm4b:s4+s2], $0x2710, $0x38;
	[tilespmem:$0x9E00] =	vst v63  }
0x13: {  	_ =	swait.ge [sflag:s8], $0x2710  }
0x14: {  	[sflag:s8] =	ssyncset.done $0x0  }
0x15: {  	s15 =	simm.s32 $0x0;
	[sflag:s8] =	ssyncadd.s32 $0xFFFFD8F0  }
.LBB2_2:
0x16: {  	p0 =	sne.s32 s15, $0x9C00  }
.Ltmp0:
0x17: {  	_ = 	snop;
	(pc) =	sbr.rel @p0 .LBB2_2-.Ltmp0, $4  }
0x18: {  	_ = 	snop  }
0x19: {  	s16 =	sshra.s32 s15, $0x2  }
0x1a: {  	[tilespmem:s16+$0x4F00] =	vst v0  }
0x1b: {  	s15 =	sadd.s32 $0x40, s15;
	[tilespmem:s16+$0x7680] =	vst v0  }
0x1c: {  	s16 =	simm.s32 $0x0;
	s15 =	simm.s32 $0x40  }
.LBB2_4:
0x1d: {  	p0 =	sne.s32 s15, $0x9C00;
	v2 =	vld [tilespmem:s16+$0x0];
	_ =	sdelay $0x7  }
0x1e: {  	[tilespmem:v2+s10+$0x0] =	vst.idx.add.f32.msk $0xffff, v1  }
0x1f: {  	v2 =	vld [tilespmem:s16+$0x2780];
	_ =	sdelay $0x3  }
.Ltmp1:
0x20: {  	(pc) =	sbr.rel @p0 .LBB2_4-.Ltmp1, $2  }
0x21: {  	_ =	sdelay $0x2  }
0x22: {  	s16 =	sshra.s32 s15, $0x2;
	s15 =	sadd.s32 $0x40, s15;
	[tilespmem:v2+s11+$0x0] =	vst.idx.add.f32.msk $0xffff, v1  }
0x23: {  	v2 =	vld [tilespmem:s16+$0x0];
	_ =	sdelay $0x7  }
0x24: {  	[tilespmem:v2+s10+$0x0] =	vst.idx.add.f32.msk $0xffff, v1  }
0x25: {  	v2 =	vld [tilespmem:s16+$0x2780];
	_ =	sdelay $0x7  }
0x26: {  	[tilespmem:v2+s11+$0x0] =	vst.idx.add.f32.msk $0xffff, v1  }
0x27: {  	[hbm4b:s5+s12] =	stream.strided.scatter [tilespmem:s10], [sflag:$0x1], $0x2780, s13, s12, $0x38;
	[tilespmem:$0x9E00] =	vst v63  }
0x28: {  	s14 =	sadd.s32 $0x1, s14;
	_ =	swait.ge [sflag:s8], $0x2780  }
0x29: {  	p0 =	sne.s32 s14, s7;
	[sflag:s8] =	ssyncset.done $0x0  }
.Ltmp2:
0x2a: {  	[sflag:s8] =	ssyncadd.s32 $0xFFFFD880;
	(pc) =	sbr.rel @p0 .LBB2_1-.Ltmp2, $4  }
0x2b: {  	[hbm4b:s6+s12] =	stream.strided.scatter [tilespmem:s11], [sflag:$0x1], $0x2780, s13, s12, $0x38;
	[tilespmem:$0x9E00] =	vst v63  }
0x2c: {  	_ =	swait.ge [sflag:s8], $0x2780  }
0x2d: {  	[sflag:s8] =	ssyncset.done $0x0  }
0x2e: {  	[sflag:s8] =	ssyncadd.s32 $0xFFFFD880  }
0x2f: {  	_ =	sfence.sel $0x180000  }
0x30: {  	[bflag:$0x0] =	sbarrier.arrive $0xFFFF  }
0x31: {  	p0 =	sne.s32 s1, $0x0;
	_ =	strace $0x90000047  }
0x32: {  	s0 =	sadd.s32 @!p0 $0x100000, s0;
	[bflag:$0x2] =	sbarrier.arrive $0xFFFF  }
0x33: {  	[sflag:s0] =	ssyncadd.tile.s32 @!p0 $0x1;
	_ =	shalt  }
.Lfunc_end2:
_tile_overlayer_lowered:
.L_overlay_start_2:
0x34: {  	(tag) =	ssettag $0x2  }
0x35: {  	s0 =	rddreg [dreg:$0x0];
	s2 =	stileid.u32  }
0x36: {  	s1 =	rddreg [dreg:$0x1];
	p0 =	sne.s32 s2, $0x0  }
0x37: {  	s3 =	rddreg [dreg:$0x2];
	[bflag:$0x3] =	sbarrier.arrive $0xFFFF;
	s2 =	simm.s32 @!p0 $0x1C01  }
0x38: {  	[timem:s3], [sflag:s2] =	dma.local @!p0 [hbm:s0], s1  }
0x39: {  	s0 =	simm.s32 @!p0 $0x1  }
0x3a: {  	_ =	swait.ge @!p0 [sflag:s0], s1  }
0x3b: {  	s1 =	ssub.s32 @!p0 $0x0, s1;
	[sflag:s0] =	ssyncset.done @!p0 $0x0  }
0x3c: {  	[sflag:s0] =	ssyncadd.s32 @!p0 s1  }
0x3d: {  	[bflag:$0x3] =	sbarrier.arrive $0xFFFF  }
0x3e: {  	_ =	shalt  }

</sc_bundles>
